<compile_context>
chip_gen: v7x
topology: tpu7x:2x2x1
jax: 0.10.2.dev20260603
libtpu: 0.0.44.dev20260713+nightly
codegen_flags: <defaults>
</compile_context>

<pallas_src>
import functools

import jax
import jax.numpy as jnp
from jax import lax
from jax.experimental import pallas as pl
from jax.experimental.pallas import tpu as pltpu
from jax.experimental.pallas import tpu_sc as plsc

X_DIM = 3
R_DIM = 16
U_DIM = 64
V_DIM = 512
H_DIM = 64
B = 8
N = 8192

NB1 = 2048
NB2 = 512

_NW = 32
_PTS = (B * N) // _NW
_C = 64
_NCH = _PTS // _C
_CW = _C * V_DIM


def _pass1_body(x_ref, r_ref, gW1_ref, gb1_ref, gW2_ref, gb2_ref,
                gW3_ref, gb3_ref, dW1u_ref, db1_ref,
                u_ref, urow_ref, hsum_ref):
    j = pl.program_id(0)
    xb = x_ref[...].reshape(B * NB1, X_DIM)
    rb = jnp.broadcast_to(r_ref[...][None], (B, NB1, R_DIM)).reshape(B * NB1, R_DIM)
    h = jax.nn.relu(jnp.concatenate([xb, rb], axis=-1) @ gW1_ref[...]
                    + gb1_ref[...])
    h = jax.nn.relu(h @ gW2_ref[...] + gb2_ref[...])
    part = jnp.sum(h.reshape(B, NB1, H_DIM), axis=1)

    @pl.when(j == 0)
    def _():
        hsum_ref[...] = jnp.zeros_like(hsum_ref)

    hsum_ref[...] += part

    @pl.when(j == pl.num_programs(0) - 1)
    def _():
        u = (hsum_ref[...] * (1.0 / N)) @ gW3_ref[...] + gb3_ref[...]
        u_ref[...] = u
        urow_ref[...] = u @ dW1u_ref[...] + db1_ref[...]


def _pass2a_body(x_ref, r_ref, u_ref,
                 iW1_ref, ib1_ref, iW2_ref, ib2_ref, iW3_ref, ib3_ref,
                 idx_ref):
    M = B * NB2
    xb = x_ref[...].reshape(M, X_DIM)
    rb = jnp.broadcast_to(r_ref[...][None], (B, NB2, R_DIM)).reshape(M, R_DIM)
    ue = jnp.broadcast_to(u_ref[...][:, None, :], (B, NB2, U_DIM)).reshape(M, U_DIM)

    h = jax.nn.relu(jnp.concatenate([xb, rb, ue], axis=-1) @ iW1_ref[...] + ib1_ref[...])
    h = jax.nn.relu(h @ iW2_ref[...] + ib2_ref[...])
    logits = h @ iW3_ref[...] + ib3_ref[...]

    mx = jnp.max(logits, axis=-1, keepdims=True)
    onehot = (logits == mx).astype(jnp.float32)
    iota_col = lax.broadcasted_iota(jnp.int32, (V_DIM, 1), 0).astype(jnp.float32)
    idxf = jnp.dot(onehot, iota_col,
                   precision=jax.lax.Precision.HIGHEST)
    idx_ref[...] = idxf.reshape(B, NB2, 1)


def _pass2b_body(r_ref, idx_ref, urow_ref,
                 dW1r_ref, dW1v_ref, dW2_ref, db2_ref, dW3_ref, db3_ref,
                 xloc_ref):
    M = B * NB2
    rb = jnp.broadcast_to(r_ref[...][None], (B, NB2, R_DIM)).reshape(M, R_DIM)
    idxf = idx_ref[...].reshape(M, 1)
    cidx = lax.broadcasted_iota(jnp.int32, (1, V_DIM), 1).astype(jnp.float32)
    onehot = (cidx == idxf).astype(jnp.float32)
    ur = jnp.broadcast_to(urow_ref[...][:, None, :], (B, NB2, H_DIM)).reshape(M, H_DIM)
    h = jax.nn.relu(rb @ dW1r_ref[...] + onehot @ dW1v_ref[...] + ur)
    h = jax.nn.relu(h @ dW2_ref[...] + db2_ref[...])
    xloc_ref[...] = (h @ dW3_ref[...] + db3_ref[...]).reshape(B, NB2, X_DIM)


def _sc_scatter_body(idx_hbm, out_hbm, idxf_v, buf, sem0, sem1):
    del sem1
    wid = lax.axis_index("s") * 2 + lax.axis_index("c")
    base = wid * _PTS
    pltpu.sync_copy(idx_hbm.at[pl.ds(base, _PTS)], idxf_v)
    iota16 = lax.iota(jnp.int32, 16)
    ones16 = jnp.full((16,), 1.0, jnp.float32)
    zeros16 = jnp.zeros((16,), jnp.float32)

    def _zero(i, _):
        buf[pl.ds(i * 16, 16)] = zeros16
        return 0

    lax.fori_loop(0, _CW // 16, _zero, 0, unroll=16)

    def chunk_mark(c, val16):
        for g in range(_C // 16):
            pt0 = c * _C + g * 16
            code = idxf_v[pl.ds(pt0, 16)].astype(jnp.int32)
            off = (g * 16 + iota16) * V_DIM + code
            plsc.store_scatter(buf, [off], val16)

    def body(c, _):
        chunk_mark(c, ones16)
        pltpu.async_copy(
            buf, out_hbm.at[pl.ds((base + c * _C) * V_DIM, _CW)], sem0
        ).wait()
        chunk_mark(c, zeros16)
        return 0

    lax.fori_loop(0, _NCH, body, 0)


def _full(shape):
    return pl.BlockSpec(shape, lambda j: tuple(0 for _ in shape))


@jax.jit
def kernel(x, gW1, gb1, gW2, gb2, gW3, gb3,
           iW1, ib1, iW2, ib2, iW3, ib3,
           dW1, db1, dW2, db2, dW3, db3):
    pos = jnp.arange(N, dtype=jnp.int32)
    r_all = ((pos[:, None] >> jnp.arange(R_DIM, dtype=jnp.int32)[None, :]) & 1
             ).astype(jnp.float32)
    dW1r = dW1[:R_DIM]
    dW1u = dW1[R_DIM:R_DIM + U_DIM]
    dW1v = dW1[R_DIM + U_DIM:]

    u, urow, _ = pl.pallas_call(
        _pass1_body,
        grid=(N // NB1,),
        in_specs=[pl.BlockSpec((B, NB1, X_DIM), lambda j: (0, j, 0)),
                  pl.BlockSpec((NB1, R_DIM), lambda j: (j, 0)),
                  _full(gW1.shape), _full(gb1.shape),
                  _full(gW2.shape), _full(gb2.shape),
                  _full(gW3.shape), _full(gb3.shape),
                  _full(dW1u.shape), _full(db1.shape)],
        out_specs=[_full((B, H_DIM)), _full((B, H_DIM)), _full((B, H_DIM))],
        out_shape=[jax.ShapeDtypeStruct((B, H_DIM), jnp.float32),
                   jax.ShapeDtypeStruct((B, H_DIM), jnp.float32),
                   jax.ShapeDtypeStruct((B, H_DIM), jnp.float32)],
    )(x, r_all, gW1, gb1, gW2, gb2, gW3, gb3, dW1u, db1)

    idxf = pl.pallas_call(
        _pass2a_body,
        grid=(N // NB2,),
        in_specs=[pl.BlockSpec((B, NB2, X_DIM), lambda j: (0, j, 0)),
                  pl.BlockSpec((NB2, R_DIM), lambda j: (j, 0)),
                  _full((B, H_DIM)),
                  _full(iW1.shape), _full(ib1.shape), _full(iW2.shape),
                  _full(ib2.shape), _full(iW3.shape), _full(ib3.shape)],
        out_specs=pl.BlockSpec((B, NB2, 1), lambda j: (0, j, 0)),
        out_shape=jax.ShapeDtypeStruct((B, N, 1), jnp.float32),
    )(x, r_all, u, iW1, ib1, iW2, ib2, iW3, ib3)

    mesh = plsc.VectorSubcoreMesh(core_axis_name="c", subcore_axis_name="s")
    sc_scatter = functools.partial(
        pl.kernel, _sc_scatter_body, mesh=mesh,
        out_type=jax.ShapeDtypeStruct((B * N * V_DIM,), jnp.float32),
        scratch_types=[pltpu.VMEM((_PTS,), jnp.float32),
                       pltpu.VMEM((_CW,), jnp.float32),
                       pltpu.SemaphoreType.DMA,
                       pltpu.SemaphoreType.DMA],
        compiler_params=pltpu.CompilerParams(needs_layout_passes=False),
    )()
    v_hard = sc_scatter(idxf.reshape(B * N)).reshape(B, N, V_DIM)

    x_loc = pl.pallas_call(
        _pass2b_body,
        grid=(N // NB2,),
        in_specs=[pl.BlockSpec((NB2, R_DIM), lambda j: (j, 0)),
                  pl.BlockSpec((B, NB2, 1), lambda j: (0, j, 0)),
                  _full((B, H_DIM)),
                  _full(dW1r.shape), _full(dW1v.shape), _full(dW2.shape),
                  _full(db2.shape), _full(dW3.shape), _full(db3.shape)],
        out_specs=pl.BlockSpec((B, NB2, X_DIM), lambda j: (0, j, 0)),
        out_shape=jax.ShapeDtypeStruct((B, N, X_DIM), jnp.float32),
    )(r_all, idxf, urow, dW1r, dW1v, dW2, db2, dW3, db3)
    return (x_loc, v_hard)

# --- scband reference (transcript-rebuilt; emitter-appended) ---
"""Pipeline reference for scband-model-71030169141613 (READ-ONLY COPY).

The authoritative reference and input builder live on the scoring server;
editing this copy changes nothing except your own understanding.
"""

import jax, jax.numpy as jnp
import numpy as np

X_DIM = 3
R_DIM = 16
U_DIM = 64
V_DIM = 512
H_DIM = 64
B = 8
N = 8192


def bin_pos_emb(t, r_dim):
    # binary positional embedding over the point axis (dim -2)
    n = t.shape[-2]
    idx = jnp.arange(n)
    bits = ((idx[:, None] >> jnp.arange(r_dim)[None, :]) & 1).astype(jnp.float32)
    return jnp.broadcast_to(bits, t.shape[:-1] + (r_dim,))


def _lin(k, din, dout):
    w = jax.random.normal(k, (din, dout), jnp.float32) * (1.0 / np.sqrt(din))
    b = jnp.zeros((dout,), jnp.float32)
    return w, b


def setup_inputs(seed: int = 0):
    key = jax.random.key(seed)
    ks = jax.random.split(key, 10)
    x = jax.random.normal(ks[0], (B, N, X_DIM), jnp.float32)
    gW1, gb1 = _lin(ks[1], X_DIM + R_DIM, H_DIM)
    gW2, gb2 = _lin(ks[2], H_DIM, H_DIM)
    gW3, gb3 = _lin(ks[3], H_DIM, U_DIM)
    iW1, ib1 = _lin(ks[4], X_DIM + R_DIM + U_DIM, H_DIM)
    iW2, ib2 = _lin(ks[5], H_DIM, H_DIM)
    iW3, ib3 = _lin(ks[6], H_DIM, V_DIM)
    dW1, db1 = _lin(ks[7], R_DIM + U_DIM + V_DIM, H_DIM)
    dW2, db2 = _lin(ks[8], H_DIM, H_DIM)
    dW3, db3 = _lin(ks[9], H_DIM, X_DIM)
    return {"x": x,
            "gW1": gW1, "gb1": gb1, "gW2": gW2, "gb2": gb2, "gW3": gW3, "gb3": gb3,
            "iW1": iW1, "ib1": ib1, "iW2": iW2, "ib2": ib2, "iW3": iW3, "ib3": ib3,
            "dW1": dW1, "db1": db1, "dW2": dW2, "db2": db2, "dW3": dW3, "db3": db3}


def reference(x, gW1, gb1, gW2, gb2, gW3, gb3,
              iW1, ib1, iW2, ib2, iW3, ib3,
              dW1, db1, dW2, db2, dW3, db3):
    # ---- inference ----
    r = bin_pos_emb(x, R_DIM)                                   # [B, N, R]
    # group encoder: per-point MLP -> mean pool -> group latent u
    h = jax.nn.relu(jnp.concatenate([x, r], axis=-1) @ gW1 + gb1)
    h = jax.nn.relu(h @ gW2 + gb2)
    u = jnp.mean(h, axis=-2) @ gW3 + gb3                        # [B, U]
    ue = jnp.broadcast_to(u[..., None, :], x.shape[:-1] + (U_DIM,))
    # instance encoder: per-point code distribution v over V_DIM codes
    h = jax.nn.relu(jnp.concatenate([x, r, ue], axis=-1) @ iW1 + ib1)
    h = jax.nn.relu(h @ iW2 + ib2)
    v = jax.nn.softmax(h @ iW3 + ib3, axis=-1)                  # [B, N, V]
    # argmax one-hot (scatter_ of 1s) with straight-through estimator
    idcs = jnp.argmax(v, axis=-1)
    v_hard = jax.nn.one_hot(idcs, V_DIM, dtype=v.dtype)
    v_hard = jax.lax.stop_gradient(v_hard - v) + v
    # ---- generate (decode) ----
    r2 = bin_pos_emb(v_hard, R_DIM)
    h = jax.nn.relu(jnp.concatenate([r2, ue, v_hard], axis=-1) @ dW1 + db1)
    h = jax.nn.relu(h @ dW2 + db2)
    x_loc = h @ dW3 + db3                                       # [B, N, X]
    return (x_loc, v_hard)

if __name__ == "__main__":
    import jax
    _d = setup_inputs()
    print(jax.jit(kernel)(*tuple(_d.values())))

</pallas_src>

<mosaic_0001>
#map = affine_map<(d0, d1) -> (0)>
module attributes {stable_mosaic.version = 14 : i64} {
  func.func @_sc_scatter_body(%arg0: i32, %arg1: i32, %arg2: memref<65536xf32, #tpu.memory_space<hbm>>, %arg3: memref<33554432xf32, #tpu.memory_space<hbm>>, %arg4: memref<2048xf32, #tpu.memory_space<vmem>>, %arg5: memref<32768xf32, #tpu.memory_space<vmem>>, %arg6: memref<!tpu.dma_semaphore, #tpu.memory_space<semaphore_mem>>, %arg7: memref<!tpu.dma_semaphore, #tpu.memory_space<semaphore_mem>>) attributes {dimension_semantics = [#tpu.dimension_semantics<core_parallel>, #tpu.dimension_semantics<subcore_parallel>], iteration_bounds = array<i64: 2, 16>, scalar_prefetch = 0 : i64, scratch_operands = 4 : i64, tpu.core_type = #tpu.core_type<sc_vector_subcore>, window_params = [{transform_indices = #map}, {transform_indices = #map}]} {
    %mul3A = arith.constant 2 : i32
    %mul3A_0 = arith.muli %arg1, %mul3A : i32
    %add3A = arith.addi %mul3A_0, %arg0 : i32
    %mul3A_1 = arith.constant 2048 : i32
    %mul3A_2 = arith.muli %add3A, %mul3A_1 : i32
    "tpu.region"() ({
      %run_scoped3A = tpu.sem_alloc : memref<!tpu.dma_semaphore, #tpu.memory_space<semaphore_mem>>
      %dma_start3A = tpu.memref_slice %arg2[%mul3A_2] : memref<65536xf32, #tpu.memory_space<hbm>> -> memref<2048xf32, #tpu.memory_space<hbm>>
      %dma_start3A_19 = tpu.memref_slice %arg2[%mul3A_2] : memref<65536xf32, #tpu.memory_space<hbm>> -> memref<2048xf32, #tpu.memory_space<hbm>>
      tpu.enqueue_dma source(%dma_start3A_19 : memref<2048xf32, #tpu.memory_space<hbm>>) target(%arg4 : memref<2048xf32, #tpu.memory_space<vmem>>) target_semaphore(%run_scoped3A : memref<!tpu.dma_semaphore, #tpu.memory_space<semaphore_mem>>)
      %dma_wait3A = tpu.memref_slice %arg2[%mul3A_2] : memref<65536xf32, #tpu.memory_space<hbm>> -> memref<2048xf32, #tpu.memory_space<hbm>>
      %dma_wait3A_20 = tpu.memref_slice %arg2[%mul3A_2] : memref<65536xf32, #tpu.memory_space<hbm>> -> memref<2048xf32, #tpu.memory_space<hbm>>
      tpu.wait_dma2 semaphore(%run_scoped3A : memref<!tpu.dma_semaphore, #tpu.memory_space<semaphore_mem>>) src(%dma_wait3A_20 : memref<2048xf32, #tpu.memory_space<hbm>>) dst(%arg4 : memref<2048xf32, #tpu.memory_space<vmem>>)
      tpu.yield
    }) : () -> ()
    %iota3A = tpu.iota {dimensions = array<i32: 0>} : vector<16xi32>
    %broadcast_in_dim3A = arith.constant 1.000000e+00 : f32
    %broadcast_in_dim3A_3 = vector.broadcast %broadcast_in_dim3A : f32 to vector<16xf32>
    %broadcast_in_dim3A_4 = arith.constant 0.000000e+00 : f32
    %broadcast_in_dim3A_5 = vector.broadcast %broadcast_in_dim3A_4 : f32 to vector<16xf32>
    %scan3A = arith.constant 0 : i32
    %scan3A_6 = arith.constant 0 : i32
    %scan3A_7 = arith.constant 2048 : i32
    %scan3A_8 = arith.addi %scan3A_6, %scan3A_7 : i32
    %scan3A_9 = arith.constant 16 : i32
    %scan3A_10 = scf.for %scan3A_19 = %scan3A_6 to %scan3A_8 step %scan3A_9 iter_args(%scan3A_20 = %scan3A) -> (i32)  : i32 {
      %mul3A_21 = arith.constant 16 : i32
      %mul3A_22 = arith.muli %scan3A_19, %mul3A_21 : i32
      %swap3A = arith.index_cast %mul3A_22 : i32 to index
      %swap3A_23 = tpu.vector_load %arg5[%swap3A] {strides = array<i32>} : memref<32768xf32, #tpu.memory_space<vmem>>, vector<16xf32>,
      tpu.vector_store %arg5[%swap3A], %broadcast_in_dim3A_5 {strides = array<i32>} : memref<32768xf32, #tpu.memory_space<vmem>>, vector<16xf32>,
      %scan3A_24 = arith.constant 0 : i32
      %scan3A_25 = arith.constant 1 : i32
      %scan3A_26 = arith.addi %scan3A_19, %scan3A_25 : i32
      %mul3A_27 = arith.constant 16 : i32
      %mul3A_28 = arith.muli %scan3A_26, %mul3A_27 : i32
      %swap3A_29 = arith.index_cast %mul3A_28 : i32 to index
      %swap3A_30 = tpu.vector_load %arg5[%swap3A_29] {strides = array<i32>} : memref<32768xf32, #tpu.memory_space<vmem>>, vector<16xf32>,
      tpu.vector_store %arg5[%swap3A_29], %broadcast_in_dim3A_5 {strides = array<i32>} : memref<32768xf32, #tpu.memory_space<vmem>>, vector<16xf32>,
      %scan3A_31 = arith.constant 0 : i32
      %scan3A_32 = arith.constant 2 : i32
      %scan3A_33 = arith.addi %scan3A_19, %scan3A_32 : i32
      %mul3A_34 = arith.constant 16 : i32
      %mul3A_35 = arith.muli %scan3A_33, %mul3A_34 : i32
      %swap3A_36 = arith.index_cast %mul3A_35 : i32 to index
      %swap3A_37 = tpu.vector_load %arg5[%swap3A_36] {strides = array<i32>} : memref<32768xf32, #tpu.memory_space<vmem>>, vector<16xf32>,
      tpu.vector_store %arg5[%swap3A_36], %broadcast_in_dim3A_5 {strides = array<i32>} : memref<32768xf32, #tpu.memory_space<vmem>>, vector<16xf32>,
      %scan3A_38 = arith.constant 0 : i32
      %scan3A_39 = arith.constant 3 : i32
      %scan3A_40 = arith.addi %scan3A_19, %scan3A_39 : i32
      %mul3A_41 = arith.constant 16 : i32
      %mul3A_42 = arith.muli %scan3A_40, %mul3A_41 : i32
      %swap3A_43 = arith.index_cast %mul3A_42 : i32 to index
      %swap3A_44 = tpu.vector_load %arg5[%swap3A_43] {strides = array<i32>} : memref<32768xf32, #tpu.memory_space<vmem>>, vector<16xf32>,
      tpu.vector_store %arg5[%swap3A_43], %broadcast_in_dim3A_5 {strides = array<i32>} : memref<32768xf32, #tpu.memory_space<vmem>>, vector<16xf32>,
      %scan3A_45 = arith.constant 0 : i32
      %scan3A_46 = arith.constant 4 : i32
      %scan3A_47 = arith.addi %scan3A_19, %scan3A_46 : i32
      %mul3A_48 = arith.constant 16 : i32
      %mul3A_49 = arith.muli %scan3A_47, %mul3A_48 : i32
      %swap3A_50 = arith.index_cast %mul3A_49 : i32 to index
      %swap3A_51 = tpu.vector_load %arg5[%swap3A_50] {strides = array<i32>} : memref<32768xf32, #tpu.memory_space<vmem>>, vector<16xf32>,
      tpu.vector_store %arg5[%swap3A_50], %broadcast_in_dim3A_5 {strides = array<i32>} : memref<32768xf32, #tpu.memory_space<vmem>>, vector<16xf32>,
      %scan3A_52 = arith.constant 0 : i32
      %scan3A_53 = arith.constant 5 : i32
      %scan3A_54 = arith.addi %scan3A_19, %scan3A_53 : i32
      %mul3A_55 = arith.constant 16 : i32
      %mul3A_56 = arith.muli %scan3A_54, %mul3A_55 : i32
      %swap3A_57 = arith.index_cast %mul3A_56 : i32 to index
      %swap3A_58 = tpu.vector_load %arg5[%swap3A_57] {strides = array<i32>} : memref<32768xf32, #tpu.memory_space<vmem>>, vector<16xf32>,
      tpu.vector_store %arg5[%swap3A_57], %broadcast_in_dim3A_5 {strides = array<i32>} : memref<32768xf32, #tpu.memory_space<vmem>>, vector<16xf32>,
      %scan3A_59 = arith.constant 0 : i32
      %scan3A_60 = arith.constant 6 : i32
      %scan3A_61 = arith.addi %scan3A_19, %scan3A_60 : i32
      %mul3A_62 = arith.constant 16 : i32
      %mul3A_63 = arith.muli %scan3A_61, %mul3A_62 : i32
      %swap3A_64 = arith.index_cast %mul3A_63 : i32 to index
      %swap3A_65 = tpu.vector_load %arg5[%swap3A_64] {strides = array<i32>} : memref<32768xf32, #tpu.memory_space<vmem>>, vector<16xf32>,
      tpu.vector_store %arg5[%swap3A_64], %broadcast_in_dim3A_5 {strides = array<i32>} : memref<32768xf32, #tpu.memory_space<vmem>>, vector<16xf32>,
      %scan3A_66 = arith.constant 0 : i32
      %scan3A_67 = arith.constant 7 : i32
      %scan3A_68 = arith.addi %scan3A_19, %scan3A_67 : i32
      %mul3A_69 = arith.constant 16 : i32
      %mul3A_70 = arith.muli %scan3A_68, %mul3A_69 : i32
      %swap3A_71 = arith.index_cast %mul3A_70 : i32 to index
      %swap3A_72 = tpu.vector_load %arg5[%swap3A_71] {strides = array<i32>} : memref<32768xf32, #tpu.memory_space<vmem>>, vector<16xf32>,
      tpu.vector_store %arg5[%swap3A_71], %broadcast_in_dim3A_5 {strides = array<i32>} : memref<32768xf32, #tpu.memory_space<vmem>>, vector<16xf32>,
      %scan3A_73 = arith.constant 0 : i32
      %scan3A_74 = arith.constant 8 : i32
      %scan3A_75 = arith.addi %scan3A_19, %scan3A_74 : i32
      %mul3A_76 = arith.constant 16 : i32
      %mul3A_77 = arith.muli %scan3A_75, %mul3A_76 : i32
      %swap3A_78 = arith.index_cast %mul3A_77 : i32 to index
      %swap3A_79 = tpu.vector_load %arg5[%swap3A_78] {strides = array<i32>} : memref<32768xf32, #tpu.memory_space<vmem>>, vector<16xf32>,
      tpu.vector_store %arg5[%swap3A_78], %broadcast_in_dim3A_5 {strides = array<i32>} : memref<32768xf32, #tpu.memory_space<vmem>>, vector<16xf32>,
      %scan3A_80 = arith.constant 0 : i32
      %scan3A_81 = arith.constant 9 : i32
      %scan3A_82 = arith.addi %scan3A_19, %scan3A_81 : i32
      %mul3A_83 = arith.constant 16 : i32
      %mul3A_84 = arith.muli %scan3A_82, %mul3A_83 : i32
      %swap3A_85 = arith.index_cast %mul3A_84 : i32 to index
      %swap3A_86 = tpu.vector_load %arg5[%swap3A_85] {strides = array<i32>} : memref<32768xf32, #tpu.memory_space<vmem>>, vector<16xf32>,
      tpu.vector_store %arg5[%swap3A_85], %broadcast_in_dim3A_5 {strides = array<i32>} : memref<32768xf32, #tpu.memory_space<vmem>>, vector<16xf32>,
      %scan3A_87 = arith.constant 0 : i32
      %scan3A_88 = arith.constant 10 : i32
      %scan3A_89 = arith.addi %scan3A_19, %scan3A_88 : i32
      %mul3A_90 = arith.constant 16 : i32
      %mul3A_91 = arith.muli %scan3A_89, %mul3A_90 : i32
      %swap3A_92 = arith.index_cast %mul3A_91 : i32 to index
      %swap3A_93 = tpu.vector_load %arg5[%swap3A_92] {strides = array<i32>} : memref<32768xf32, #tpu.memory_space<vmem>>, vector<16xf32>,
      tpu.vector_store %arg5[%swap3A_92], %broadcast_in_dim3A_5 {strides = array<i32>} : memref<32768xf32, #tpu.memory_space<vmem>>, vector<16xf32>,
      %scan3A_94 = arith.constant 0 : i32
      %scan3A_95 = arith.constant 11 : i32
      %scan3A_96 = arith.addi %scan3A_19, %scan3A_95 : i32
      %mul3A_97 = arith.constant 16 : i32
      %mul3A_98 = arith.muli %scan3A_96, %mul3A_97 : i32
      %swap3A_99 = arith.index_cast %mul3A_98 : i32 to index
      %swap3A_100 = tpu.vector_load %arg5[%swap3A_99] {strides = array<i32>} : memref<32768xf32, #tpu.memory_space<vmem>>, vector<16xf32>,
      tpu.vector_store %arg5[%swap3A_99], %broadcast_in_dim3A_5 {strides = array<i32>} : memref<32768xf32, #tpu.memory_space<vmem>>, vector<16xf32>,
      %scan3A_101 = arith.constant 0 : i32
      %scan3A_102 = arith.constant 12 : i32
      %scan3A_103 = arith.addi %scan3A_19, %scan3A_102 : i32
      %mul3A_104 = arith.constant 16 : i32
      %mul3A_105 = arith.muli %scan3A_103, %mul3A_104 : i32
      %swap3A_106 = arith.index_cast %mul3A_105 : i32 to index
      %swap3A_107 = tpu.vector_load %arg5[%swap3A_106] {strides = array<i32>} : memref<32768xf32, #tpu.memory_space<vmem>>, vector<16xf32>,
      tpu.vector_store %arg5[%swap3A_106], %broadcast_in_dim3A_5 {strides = array<i32>} : memref<32768xf32, #tpu.memory_space<vmem>>, vector<16xf32>,
      %scan3A_108 = arith.constant 0 : i32
      %scan3A_109 = arith.constant 13 : i32
      %scan3A_110 = arith.addi %scan3A_19, %scan3A_109 : i32
      %mul3A_111 = arith.constant 16 : i32
      %mul3A_112 = arith.muli %scan3A_110, %mul3A_111 : i32
      %swap3A_113 = arith.index_cast %mul3A_112 : i32 to index
      %swap3A_114 = tpu.vector_load %arg5[%swap3A_113] {strides = array<i32>} : memref<32768xf32, #tpu.memory_space<vmem>>, vector<16xf32>,
      tpu.vector_store %arg5[%swap3A_113], %broadcast_in_dim3A_5 {strides = array<i32>} : memref<32768xf32, #tpu.memory_space<vmem>>, vector<16xf32>,
      %scan3A_115 = arith.constant 0 : i32
      %scan3A_116 = arith.constant 14 : i32
      %scan3A_117 = arith.addi %scan3A_19, %scan3A_116 : i32
      %mul3A_118 = arith.constant 16 : i32
      %mul3A_119 = arith.muli %scan3A_117, %mul3A_118 : i32
      %swap3A_120 = arith.index_cast %mul3A_119 : i32 to index
      %swap3A_121 = tpu.vector_load %arg5[%swap3A_120] {strides = array<i32>} : memref<32768xf32, #tpu.memory_space<vmem>>, vector<16xf32>,
      tpu.vector_store %arg5[%swap3A_120], %broadcast_in_dim3A_5 {strides = array<i32>} : memref<32768xf32, #tpu.memory_space<vmem>>, vector<16xf32>,
      %scan3A_122 = arith.constant 0 : i32
      %scan3A_123 = arith.constant 15 : i32
      %scan3A_124 = arith.addi %scan3A_19, %scan3A_123 : i32
      %mul3A_125 = arith.constant 16 : i32
      %mul3A_126 = arith.muli %scan3A_124, %mul3A_125 : i32
      %swap3A_127 = arith.index_cast %mul3A_126 : i32 to index
      %swap3A_128 = tpu.vector_load %arg5[%swap3A_127] {strides = array<i32>} : memref<32768xf32, #tpu.memory_space<vmem>>, vector<16xf32>,
      tpu.vector_store %arg5[%swap3A_127], %broadcast_in_dim3A_5 {strides = array<i32>} : memref<32768xf32, #tpu.memory_space<vmem>>, vector<16xf32>,
      %scan3A_129 = arith.constant 0 : i32
      scf.yield %scan3A_129 : i32
    }
    %scan3A_11 = arith.constant 2048 : i32
    %scan3A_12 = arith.constant 0 : i32
    %scan3A_13 = arith.constant 0 : i32
    %scan3A_14 = arith.constant 32 : i32
    %scan3A_15 = arith.addi %scan3A_13, %scan3A_14 : i32
    %scan3A_16 = arith.constant 1 : i32
    %scan3A_17 = scf.for %scan3A_19 = %scan3A_13 to %scan3A_15 step %scan3A_16 iter_args(%scan3A_20 = %scan3A_12) -> (i32)  : i32 {
      %mul3A_21 = arith.constant 64 : i32
      %mul3A_22 = arith.muli %scan3A_19, %mul3A_21 : i32
      %add3A_23 = arith.constant 0 : i32
      %add3A_24 = arith.addi %mul3A_22, %add3A_23 : i32
      %get3A = arith.index_cast %add3A_24 : i32 to index
      %get3A_25 = tpu.vector_load %arg4[%get3A] {strides = array<i32>} : memref<2048xf32, #tpu.memory_space<vmem>>, vector<16xf32>,
      %convert_element_type3A = arith.fptosi %get3A_25 : vector<16xf32> to vector<16xi32>
      %add3A_26 = arith.constant 0 : i32
      %add3A_27 = vector.broadcast %add3A_26 : i32 to vector<16xi32>
      %add3A_28 = arith.addi %add3A_27, %iota3A : vector<16xi32>
      %mul3A_29 = arith.constant 512 : i32
      %mul3A_30 = vector.broadcast %mul3A_29 : i32 to vector<16xi32>
      %mul3A_31 = arith.muli %add3A_28, %mul3A_30 : vector<16xi32>
      %add3A_32 = arith.addi %mul3A_31, %convert_element_type3A : vector<16xi32>
      tpu.vector_store_idx %arg5[%add3A_32], %broadcast_in_dim3A_3 : memref<32768xf32, #tpu.memory_space<vmem>>[vector<16xi32>], vector<16xf32>,
      %mul3A_33 = arith.constant 64 : i32
      %mul3A_34 = arith.muli %scan3A_19, %mul3A_33 : i32
      %add3A_35 = arith.constant 16 : i32
      %add3A_36 = arith.addi %mul3A_34, %add3A_35 : i32
      %get3A_37 = arith.index_cast %add3A_36 : i32 to index
      %get3A_38 = tpu.vector_load %arg4[%get3A_37] {strides = array<i32>} : memref<2048xf32, #tpu.memory_space<vmem>>, vector<16xf32>,
      %convert_element_type3A_39 = arith.fptosi %get3A_38 : vector<16xf32> to vector<16xi32>
      %add3A_40 = arith.constant 16 : i32
      %add3A_41 = vector.broadcast %add3A_40 : i32 to vector<16xi32>
      %add3A_42 = arith.addi %add3A_41, %iota3A : vector<16xi32>
      %mul3A_43 = arith.constant 512 : i32
      %mul3A_44 = vector.broadcast %mul3A_43 : i32 to vector<16xi32>
      %mul3A_45 = arith.muli %add3A_42, %mul3A_44 : vector<16xi32>
      %add3A_46 = arith.addi %mul3A_45, %convert_element_type3A_39 : vector<16xi32>
      tpu.vector_store_idx %arg5[%add3A_46], %broadcast_in_dim3A_3 : memref<32768xf32, #tpu.memory_space<vmem>>[vector<16xi32>], vector<16xf32>,
      %mul3A_47 = arith.constant 64 : i32
      %mul3A_48 = arith.muli %scan3A_19, %mul3A_47 : i32
      %add3A_49 = arith.constant 32 : i32
      %add3A_50 = arith.addi %mul3A_48, %add3A_49 : i32
      %get3A_51 = arith.index_cast %add3A_50 : i32 to index
      %get3A_52 = tpu.vector_load %arg4[%get3A_51] {strides = array<i32>} : memref<2048xf32, #tpu.memory_space<vmem>>, vector<16xf32>,
      %convert_element_type3A_53 = arith.fptosi %get3A_52 : vector<16xf32> to vector<16xi32>
      %add3A_54 = arith.constant 32 : i32
      %add3A_55 = vector.broadcast %add3A_54 : i32 to vector<16xi32>
      %add3A_56 = arith.addi %add3A_55, %iota3A : vector<16xi32>
      %mul3A_57 = arith.constant 512 : i32
      %mul3A_58 = vector.broadcast %mul3A_57 : i32 to vector<16xi32>
      %mul3A_59 = arith.muli %add3A_56, %mul3A_58 : vector<16xi32>
      %add3A_60 = arith.addi %mul3A_59, %convert_element_type3A_53 : vector<16xi32>
      tpu.vector_store_idx %arg5[%add3A_60], %broadcast_in_dim3A_3 : memref<32768xf32, #tpu.memory_space<vmem>>[vector<16xi32>], vector<16xf32>,
      %mul3A_61 = arith.constant 64 : i32
      %mul3A_62 = arith.muli %scan3A_19, %mul3A_61 : i32
      %add3A_63 = arith.constant 48 : i32
      %add3A_64 = arith.addi %mul3A_62, %add3A_63 : i32
      %get3A_65 = arith.index_cast %add3A_64 : i32 to index
      %get3A_66 = tpu.vector_load %arg4[%get3A_65] {strides = array<i32>} : memref<2048xf32, #tpu.memory_space<vmem>>, vector<16xf32>,
      %convert_element_type3A_67 = arith.fptosi %get3A_66 : vector<16xf32> to vector<16xi32>
      %add3A_68 = arith.constant 48 : i32
      %add3A_69 = vector.broadcast %add3A_68 : i32 to vector<16xi32>
      %add3A_70 = arith.addi %add3A_69, %iota3A : vector<16xi32>
      %mul3A_71 = arith.constant 512 : i32
      %mul3A_72 = vector.broadcast %mul3A_71 : i32 to vector<16xi32>
      %mul3A_73 = arith.muli %add3A_70, %mul3A_72 : vector<16xi32>
      %add3A_74 = arith.addi %mul3A_73, %convert_element_type3A_67 : vector<16xi32>
      tpu.vector_store_idx %arg5[%add3A_74], %broadcast_in_dim3A_3 : memref<32768xf32, #tpu.memory_space<vmem>>[vector<16xi32>], vector<16xf32>,
      %mul3A_75 = arith.constant 64 : i32
      %mul3A_76 = arith.muli %scan3A_19, %mul3A_75 : i32
      %add3A_77 = arith.addi %mul3A_2, %mul3A_76 : i32
      %mul3A_78 = arith.constant 512 : i32
      %mul3A_79 = arith.muli %add3A_77, %mul3A_78 : i32
      %dma_start3A = tpu.memref_slice %arg3[%mul3A_79] : memref<33554432xf32, #tpu.memory_space<hbm>> -> memref<32768xf32, #tpu.memory_space<hbm>>
      %dma_start3A_80 = tpu.memref_slice %arg3[%mul3A_79] : memref<33554432xf32, #tpu.memory_space<hbm>> -> memref<32768xf32, #tpu.memory_space<hbm>>
      tpu.enqueue_dma source(%arg5 : memref<32768xf32, #tpu.memory_space<vmem>>) target(%dma_start3A_80 : memref<32768xf32, #tpu.memory_space<hbm>>) target_semaphore(%arg6 : memref<!tpu.dma_semaphore, #tpu.memory_space<semaphore_mem>>)
      %dma_wait3A = tpu.memref_slice %arg3[%mul3A_79] : memref<33554432xf32, #tpu.memory_space<hbm>> -> memref<32768xf32, #tpu.memory_space<hbm>>
      %dma_wait3A_81 = tpu.memref_slice %arg3[%mul3A_79] : memref<33554432xf32, #tpu.memory_space<hbm>> -> memref<32768xf32, #tpu.memory_space<hbm>>
      tpu.wait_dma2 semaphore(%arg6 : memref<!tpu.dma_semaphore, #tpu.memory_space<semaphore_mem>>) src(%arg5 : memref<32768xf32, #tpu.memory_space<vmem>>) dst(%dma_wait3A_81 : memref<32768xf32, #tpu.memory_space<hbm>>)
      %mul3A_82 = arith.constant 64 : i32
      %mul3A_83 = arith.muli %scan3A_19, %mul3A_82 : i32
      %add3A_84 = arith.constant 0 : i32
      %add3A_85 = arith.addi %mul3A_83, %add3A_84 : i32
      %get3A_86 = arith.index_cast %add3A_85 : i32 to index
      %get3A_87 = tpu.vector_load %arg4[%get3A_86] {strides = array<i32>} : memref<2048xf32, #tpu.memory_space<vmem>>, vector<16xf32>,
      %convert_element_type3A_88 = arith.fptosi %get3A_87 : vector<16xf32> to vector<16xi32>
      %add3A_89 = arith.constant 0 : i32
      %add3A_90 = vector.broadcast %add3A_89 : i32 to vector<16xi32>
      %add3A_91 = arith.addi %add3A_90, %iota3A : vector<16xi32>
      %mul3A_92 = arith.constant 512 : i32
      %mul3A_93 = vector.broadcast %mul3A_92 : i32 to vector<16xi32>
      %mul3A_94 = arith.muli %add3A_91, %mul3A_93 : vector<16xi32>
      %add3A_95 = arith.addi %mul3A_94, %convert_element_type3A_88 : vector<16xi32>
      tpu.vector_store_idx %arg5[%add3A_95], %broadcast_in_dim3A_5 : memref<32768xf32, #tpu.memory_space<vmem>>[vector<16xi32>], vector<16xf32>,
      %mul3A_96 = arith.constant 64 : i32
      %mul3A_97 = arith.muli %scan3A_19, %mul3A_96 : i32
      %add3A_98 = arith.constant 16 : i32
      %add3A_99 = arith.addi %mul3A_97, %add3A_98 : i32
      %get3A_100 = arith.index_cast %add3A_99 : i32 to index
      %get3A_101 = tpu.vector_load %arg4[%get3A_100] {strides = array<i32>} : memref<2048xf32, #tpu.memory_space<vmem>>, vector<16xf32>,
      %convert_element_type3A_102 = arith.fptosi %get3A_101 : vector<16xf32> to vector<16xi32>
      %add3A_103 = arith.constant 16 : i32
      %add3A_104 = vector.broadcast %add3A_103 : i32 to vector<16xi32>
      %add3A_105 = arith.addi %add3A_104, %iota3A : vector<16xi32>
      %mul3A_106 = arith.constant 512 : i32
      %mul3A_107 = vector.broadcast %mul3A_106 : i32 to vector<16xi32>
      %mul3A_108 = arith.muli %add3A_105, %mul3A_107 : vector<16xi32>
      %add3A_109 = arith.addi %mul3A_108, %convert_element_type3A_102 : vector<16xi32>
      tpu.vector_store_idx %arg5[%add3A_109], %broadcast_in_dim3A_5 : memref<32768xf32, #tpu.memory_space<vmem>>[vector<16xi32>], vector<16xf32>,
      %mul3A_110 = arith.constant 64 : i32
      %mul3A_111 = arith.muli %scan3A_19, %mul3A_110 : i32
      %add3A_112 = arith.constant 32 : i32
      %add3A_113 = arith.addi %mul3A_111, %add3A_112 : i32
      %get3A_114 = arith.index_cast %add3A_113 : i32 to index
      %get3A_115 = tpu.vector_load %arg4[%get3A_114] {strides = array<i32>} : memref<2048xf32, #tpu.memory_space<vmem>>, vector<16xf32>,
      %convert_element_type3A_116 = arith.fptosi %get3A_115 : vector<16xf32> to vector<16xi32>
      %add3A_117 = arith.constant 32 : i32
      %add3A_118 = vector.broadcast %add3A_117 : i32 to vector<16xi32>
      %add3A_119 = arith.addi %add3A_118, %iota3A : vector<16xi32>
      %mul3A_120 = arith.constant 512 : i32
      %mul3A_121 = vector.broadcast %mul3A_120 : i32 to vector<16xi32>
      %mul3A_122 = arith.muli %add3A_119, %mul3A_121 : vector<16xi32>
      %add3A_123 = arith.addi %mul3A_122, %convert_element_type3A_116 : vector<16xi32>
      tpu.vector_store_idx %arg5[%add3A_123], %broadcast_in_dim3A_5 : memref<32768xf32, #tpu.memory_space<vmem>>[vector<16xi32>], vector<16xf32>,
      %mul3A_124 = arith.constant 64 : i32
      %mul3A_125 = arith.muli %scan3A_19, %mul3A_124 : i32
      %add3A_126 = arith.constant 48 : i32
      %add3A_127 = arith.addi %mul3A_125, %add3A_126 : i32
      %get3A_128 = arith.index_cast %add3A_127 : i32 to index
      %get3A_129 = tpu.vector_load %arg4[%get3A_128] {strides = array<i32>} : memref<2048xf32, #tpu.memory_space<vmem>>, vector<16xf32>,
      %convert_element_type3A_130 = arith.fptosi %get3A_129 : vector<16xf32> to vector<16xi32>
      %add3A_131 = arith.constant 48 : i32
      %add3A_132 = vector.broadcast %add3A_131 : i32 to vector<16xi32>
      %add3A_133 = arith.addi %add3A_132, %iota3A : vector<16xi32>
      %mul3A_134 = arith.constant 512 : i32
      %mul3A_135 = vector.broadcast %mul3A_134 : i32 to vector<16xi32>
      %mul3A_136 = arith.muli %add3A_133, %mul3A_135 : vector<16xi32>
      %add3A_137 = arith.addi %mul3A_136, %convert_element_type3A_130 : vector<16xi32>
      tpu.vector_store_idx %arg5[%add3A_137], %broadcast_in_dim3A_5 : memref<32768xf32, #tpu.memory_space<vmem>>[vector<16xi32>], vector<16xf32>,
      %scan3A_138 = arith.constant 0 : i32
      scf.yield %scan3A_138 : i32
    }
    %scan3A_18 = arith.constant 32 : i32
    return
  }
}

module attributes {stable_mosaic.version = 14 : i64} {
  func.func @_pass1_body(%arg0: i32, %arg1: memref<8x2048x3xf32, #tpu.memory_space<vmem>>, %arg2: memref<2048x16xf32, #tpu.memory_space<vmem>>, %arg3: memref<19x64xf32, #tpu.memory_space<vmem>>, %arg4: memref<64xf32, #tpu.memory_space<vmem>>, %arg5: memref<64x64xf32, #tpu.memory_space<vmem>>, %arg6: memref<64xf32, #tpu.memory_space<vmem>>, %arg7: memref<64x64xf32, #tpu.memory_space<vmem>>, %arg8: memref<64xf32, #tpu.memory_space<vmem>>, %arg9: memref<64x64xf32, #tpu.memory_space<vmem>>, %arg10: memref<64xf32, #tpu.memory_space<vmem>>, %arg11: memref<8x64xf32, #tpu.memory_space<vmem>>, %arg12: memref<8x64xf32, #tpu.memory_space<vmem>>, %arg13: memref<8x64xf32, #tpu.memory_space<vmem>>) attributes {dimension_semantics = [#tpu.dimension_semantics<arbitrary>], iteration_bounds = array<i64: 4>, scalar_prefetch = 0 : i64, scratch_operands = 0 : i64, tpu.core_type = #tpu.core_type<tc>, window_params = [{transform_indices = @transform_0, window_bounds = array<i64: 8, 2048, 3>}, {transform_indices = @transform_1, window_bounds = array<i64: 2048, 16>}, {pipeline_mode = #tpu.pipeline_mode<synchronous>, transform_indices = @transform_2, window_bounds = array<i64: 19, 64>}, {pipeline_mode = #tpu.pipeline_mode<synchronous>, transform_indices = @transform_3, window_bounds = array<i64: 64>}, {pipeline_mode = #tpu.pipeline_mode<synchronous>, transform_indices = @transform_4, window_bounds = array<i64: 64, 64>}, {pipeline_mode = #tpu.pipeline_mode<synchronous>, transform_indices = @transform_5, window_bounds = array<i64: 64>}, {pipeline_mode = #tpu.pipeline_mode<synchronous>, transform_indices = @transform_6, window_bounds = array<i64: 64, 64>}, {pipeline_mode = #tpu.pipeline_mode<synchronous>, transform_indices = @transform_7, window_bounds = array<i64: 64>}, {pipeline_mode = #tpu.pipeline_mode<synchronous>, transform_indices = @transform_8, window_bounds = array<i64: 64, 64>}, {pipeline_mode = #tpu.pipeline_mode<synchronous>, transform_indices = @transform_9, window_bounds = array<i64: 64>}, {pipeline_mode = #tpu.pipeline_mode<synchronous>, transform_indices = @transform_10, window_bounds = array<i64: 8, 64>}, {pipeline_mode = #tpu.pipeline_mode<synchronous>, transform_indices = @transform_11, window_bounds = array<i64: 8, 64>}, {pipeline_mode = #tpu.pipeline_mode<synchronous>, transform_indices = @transform_12, window_bounds = array<i64: 8, 64>}]} {
    %get3A = arith.constant 0 : index
    %get3A_0 = arith.constant 0 : index
    %get3A_1 = arith.constant 0 : index
    %get3A_2 = vector.load %arg1[%get3A, %get3A_0, %get3A_1] : memref<8x2048x3xf32, #tpu.memory_space<vmem>>, vector<8x2048x3xf32>
    %reshape3A = vector.shape_cast %get3A_2 : vector<8x2048x3xf32> to vector<16384x3xf32>
    %get3A_3 = arith.constant 0 : index
    %get3A_4 = arith.constant 0 : index
    %get3A_5 = vector.load %arg2[%get3A_3, %get3A_4] : memref<2048x16xf32, #tpu.memory_space<vmem>>, vector<2048x16xf32>
    %broadcast_in_dim3A = vector.shape_cast %get3A_5 : vector<2048x16xf32> to vector<1x2048x16xf32>
    %broadcast_in_dim3A_6 = vector.shape_cast %broadcast_in_dim3A : vector<1x2048x16xf32> to vector<1x2048x16xf32>
    %broadcast_in_dim3A_7 = vector.broadcast %broadcast_in_dim3A_6 : vector<1x2048x16xf32> to vector<8x2048x16xf32>
    %reshape3A_8 = vector.shape_cast %broadcast_in_dim3A_7 : vector<8x2048x16xf32> to vector<16384x16xf32>
    %concatenate3A = tpu.concatenate %reshape3A, %reshape3A_8 in 1 : vector<16384x3xf32>, vector<16384x16xf32> -> vector<16384x19xf32>
    %get3A_9 = arith.constant 0 : index
    %get3A_10 = arith.constant 0 : index
    %get3A_11 = vector.load %arg3[%get3A_9, %get3A_10] : memref<19x64xf32, #tpu.memory_space<vmem>>, vector<19x64xf32>
    %dot_general3A = arith.constant dense<0.000000e+00> : vector<16384x64xf32>
    %dot_general3A_12 = tpu.matmul %concatenate3A, %get3A_11, %dot_general3A {dimension_numbers = #tpu.dot_dimension_numbers<[1], [0], [0], [1], [0, 0, 1, 1], [], []>, transpose_lhs_hint = false} : vector<16384x19xf32>, vector<19x64xf32>, vector<16384x64xf32> -> vector<16384x64xf32>
    %get3A_13 = arith.constant 0 : index
    %get3A_14 = vector.load %arg4[%get3A_13] : memref<64xf32, #tpu.memory_space<vmem>>, vector<64xf32>
    %broadcast_in_dim3A_15 = vector.shape_cast %get3A_14 : vector<64xf32> to vector<1x64xf32>
    %add3A = vector.broadcast %broadcast_in_dim3A_15 : vector<1x64xf32> to vector<16384x64xf32>
    %add3A_16 = arith.addf %dot_general3A_12, %add3A : vector<16384x64xf32>
    %max3A = arith.constant 0.000000e+00 : f32
    %max3A_17 = vector.broadcast %max3A : f32 to vector<16384x64xf32>
    %max3A_18 = arith.maximumf %add3A_16, %max3A_17 : vector<16384x64xf32>
    %get3A_19 = arith.constant 0 : index
    %get3A_20 = arith.constant 0 : index
    %get3A_21 = vector.load %arg5[%get3A_19, %get3A_20] : memref<64x64xf32, #tpu.memory_space<vmem>>, vector<64x64xf32>
    %dot_general3A_22 = arith.constant dense<0.000000e+00> : vector<16384x64xf32>
    %dot_general3A_23 = tpu.matmul %max3A_18, %get3A_21, %dot_general3A_22 {dimension_numbers = #tpu.dot_dimension_numbers<[1], [0], [0], [1], [0, 0, 1, 1], [], []>, transpose_lhs_hint = false} : vector<16384x64xf32>, vector<64x64xf32>, vector<16384x64xf32> -> vector<16384x64xf32>
    %get3A_24 = arith.constant 0 : index
    %get3A_25 = vector.load %arg6[%get3A_24] : memref<64xf32, #tpu.memory_space<vmem>>, vector<64xf32>
    %broadcast_in_dim3A_26 = vector.shape_cast %get3A_25 : vector<64xf32> to vector<1x64xf32>
    %add3A_27 = vector.broadcast %broadcast_in_dim3A_26 : vector<1x64xf32> to vector<16384x64xf32>
    %add3A_28 = arith.addf %dot_general3A_23, %add3A_27 : vector<16384x64xf32>
    %max3A_29 = arith.constant 0.000000e+00 : f32
    %max3A_30 = vector.broadcast %max3A_29 : f32 to vector<16384x64xf32>
    %max3A_31 = arith.maximumf %add3A_28, %max3A_30 : vector<16384x64xf32>
    %reshape3A_32 = vector.shape_cast %max3A_31 : vector<16384x64xf32> to vector<8x2048x64xf32>
    %reduce_sum3A = arith.constant dense<0.000000e+00> : vector<8x64xf32>
    %reduce_sum3A_33 = vector.multi_reduction <add>, %reshape3A_32, %reduce_sum3A [1] : vector<8x2048x64xf32> to vector<8x64xf32>
    %eq3A = arith.constant 0 : i32
    %eq3A_34 = arith.cmpi eq, %arg0, %eq3A : i32
    %convert_element_type3A = arith.extui %eq3A_34 : i1 to i32
    %cond3A = arith.constant 0 : i32
    %cond3A_35 = arith.cmpi ne, %convert_element_type3A, %cond3A : i32
    scf.if %cond3A_35 {
      %broadcast_in_dim3A_47 = arith.constant 0.000000e+00 : f32
      %broadcast_in_dim3A_48 = vector.broadcast %broadcast_in_dim3A_47 : f32 to vector<8x64xf32>
      %swap3A_49 = arith.constant 0 : index
      %swap3A_50 = arith.constant 0 : index
      %swap3A_51 = vector.load %arg13[%swap3A_49, %swap3A_50] : memref<8x64xf32, #tpu.memory_space<vmem>>, vector<8x64xf32>
      tpu.vector_store %arg13[%swap3A_49, %swap3A_50], %broadcast_in_dim3A_48 {strides = array<i32>} : memref<8x64xf32, #tpu.memory_space<vmem>>, vector<8x64xf32>,
    } else {
    }
    %get3A_36 = arith.constant 0 : index
    %get3A_37 = arith.constant 0 : index
    %get3A_38 = vector.load %arg13[%get3A_36, %get3A_37] : memref<8x64xf32, #tpu.memory_space<vmem>>, vector<8x64xf32>
    %add3A_39 = arith.addf %get3A_38, %reduce_sum3A_33 : vector<8x64xf32>
    %swap3A = arith.constant 0 : index
    %swap3A_40 = arith.constant 0 : index
    %swap3A_41 = vector.load %arg13[%swap3A, %swap3A_40] : memref<8x64xf32, #tpu.memory_space<vmem>>, vector<8x64xf32>
    tpu.vector_store %arg13[%swap3A, %swap3A_40], %add3A_39 {strides = array<i32>} : memref<8x64xf32, #tpu.memory_space<vmem>>, vector<8x64xf32>,
    %eq3A_42 = arith.constant 3 : i32
    %eq3A_43 = arith.cmpi eq, %arg0, %eq3A_42 : i32
    %convert_element_type3A_44 = arith.extui %eq3A_43 : i1 to i32
    %cond3A_45 = arith.constant 0 : i32
    %cond3A_46 = arith.cmpi ne, %convert_element_type3A_44, %cond3A_45 : i32
    scf.if %cond3A_46 {
      %get3A_47 = arith.constant 0 : index
      %get3A_48 = arith.constant 0 : index
      %get3A_49 = vector.load %arg13[%get3A_47, %get3A_48] : memref<8x64xf32, #tpu.memory_space<vmem>>, vector<8x64xf32>
      %mul3A = arith.constant 1.22070313E-4 : f32
      %mul3A_50 = vector.broadcast %mul3A : f32 to vector<8x64xf32>
      %mul3A_51 = arith.mulf %get3A_49, %mul3A_50 : vector<8x64xf32>
      %get3A_52 = arith.constant 0 : index
      %get3A_53 = arith.constant 0 : index
      %get3A_54 = vector.load %arg7[%get3A_52, %get3A_53] : memref<64x64xf32, #tpu.memory_space<vmem>>, vector<64x64xf32>
      %dot_general3A_55 = arith.constant dense<0.000000e+00> : vector<8x64xf32>
      %dot_general3A_56 = tpu.matmul %mul3A_51, %get3A_54, %dot_general3A_55 {dimension_numbers = #tpu.dot_dimension_numbers<[1], [0], [0], [1], [0, 0, 1, 1], [], []>, transpose_lhs_hint = false} : vector<8x64xf32>, vector<64x64xf32>, vector<8x64xf32> -> vector<8x64xf32>
      %get3A_57 = arith.constant 0 : index
      %get3A_58 = vector.load %arg8[%get3A_57] : memref<64xf32, #tpu.memory_space<vmem>>, vector<64xf32>
      %broadcast_in_dim3A_59 = vector.shape_cast %get3A_58 : vector<64xf32> to vector<1x64xf32>
      %add3A_60 = vector.broadcast %broadcast_in_dim3A_59 : vector<1x64xf32> to vector<8x64xf32>
      %add3A_61 = arith.addf %dot_general3A_56, %add3A_60 : vector<8x64xf32>
      %swap3A_62 = arith.constant 0 : index
      %swap3A_63 = arith.constant 0 : index
      %swap3A_64 = vector.load %arg11[%swap3A_62, %swap3A_63] : memref<8x64xf32, #tpu.memory_space<vmem>>, vector<8x64xf32>
      tpu.vector_store %arg11[%swap3A_62, %swap3A_63], %add3A_61 {strides = array<i32>} : memref<8x64xf32, #tpu.memory_space<vmem>>, vector<8x64xf32>,
      %get3A_65 = arith.constant 0 : index
      %get3A_66 = arith.constant 0 : index
      %get3A_67 = vector.load %arg9[%get3A_65, %get3A_66] : memref<64x64xf32, #tpu.memory_space<vmem>>, vector<64x64xf32>
      %dot_general3A_68 = arith.constant dense<0.000000e+00> : vector<8x64xf32>
      %dot_general3A_69 = tpu.matmul %add3A_61, %get3A_67, %dot_general3A_68 {dimension_numbers = #tpu.dot_dimension_numbers<[1], [0], [0], [1], [0, 0, 1, 1], [], []>, transpose_lhs_hint = false} : vector<8x64xf32>, vector<64x64xf32>, vector<8x64xf32> -> vector<8x64xf32>
      %get3A_70 = arith.constant 0 : index
      %get3A_71 = vector.load %arg10[%get3A_70] : memref<64xf32, #tpu.memory_space<vmem>>, vector<64xf32>
      %broadcast_in_dim3A_72 = vector.shape_cast %get3A_71 : vector<64xf32> to vector<1x64xf32>
      %add3A_73 = vector.broadcast %broadcast_in_dim3A_72 : vector<1x64xf32> to vector<8x64xf32>
      %add3A_74 = arith.addf %dot_general3A_69, %add3A_73 : vector<8x64xf32>
      %swap3A_75 = arith.constant 0 : index
      %swap3A_76 = arith.constant 0 : index
      %swap3A_77 = vector.load %arg12[%swap3A_75, %swap3A_76] : memref<8x64xf32, #tpu.memory_space<vmem>>, vector<8x64xf32>
      tpu.vector_store %arg12[%swap3A_75, %swap3A_76], %add3A_74 {strides = array<i32>} : memref<8x64xf32, #tpu.memory_space<vmem>>, vector<8x64xf32>,
    } else {
    }
    return
  }
  func.func @transform_0(%arg0: i32) -> (i32, i32, i32) {
    %c0_i32 = arith.constant 0 : i32
    %c0_i32_0 = arith.constant 0 : i32
    %c0_i32_1 = arith.constant 0 : i32
    return %c0_i32, %arg0, %c0_i32_0 : i32, i32, i32
  }
  func.func @transform_1(%arg0: i32) -> (i32, i32) {
    %c0_i32 = arith.constant 0 : i32
    %c0_i32_0 = arith.constant 0 : i32
    return %arg0, %c0_i32 : i32, i32
  }
  func.func @transform_2(%arg0: i32) -> (i32, i32) {
    %c0_i32 = arith.constant 0 : i32
    %c0_i32_0 = arith.constant 0 : i32
    %c0_i32_1 = arith.constant 0 : i32
    return %c0_i32, %c0_i32_0 : i32, i32
  }
  func.func @transform_3(%arg0: i32) -> i32 {
    %c0_i32 = arith.constant 0 : i32
    %c0_i32_0 = arith.constant 0 : i32
    return %c0_i32 : i32
  }
  func.func @transform_4(%arg0: i32) -> (i32, i32) {
    %c0_i32 = arith.constant 0 : i32
    %c0_i32_0 = arith.constant 0 : i32
    %c0_i32_1 = arith.constant 0 : i32
    return %c0_i32, %c0_i32_0 : i32, i32
  }
  func.func @transform_5(%arg0: i32) -> i32 {
    %c0_i32 = arith.constant 0 : i32
    %c0_i32_0 = arith.constant 0 : i32
    return %c0_i32 : i32
  }
  func.func @transform_6(%arg0: i32) -> (i32, i32) {
    %c0_i32 = arith.constant 0 : i32
    %c0_i32_0 = arith.constant 0 : i32
    %c0_i32_1 = arith.constant 0 : i32
    return %c0_i32, %c0_i32_0 : i32, i32
  }
  func.func @transform_7(%arg0: i32) -> i32 {
    %c0_i32 = arith.constant 0 : i32
    %c0_i32_0 = arith.constant 0 : i32
    return %c0_i32 : i32
  }
  func.func @transform_8(%arg0: i32) -> (i32, i32) {
    %c0_i32 = arith.constant 0 : i32
    %c0_i32_0 = arith.constant 0 : i32
    %c0_i32_1 = arith.constant 0 : i32
    return %c0_i32, %c0_i32_0 : i32, i32
  }
  func.func @transform_9(%arg0: i32) -> i32 {
    %c0_i32 = arith.constant 0 : i32
    %c0_i32_0 = arith.constant 0 : i32
    return %c0_i32 : i32
  }
  func.func @transform_10(%arg0: i32) -> (i32, i32) {
    %c0_i32 = arith.constant 0 : i32
    %c0_i32_0 = arith.constant 0 : i32
    %c0_i32_1 = arith.constant 0 : i32
    return %c0_i32, %c0_i32_0 : i32, i32
  }
  func.func @transform_11(%arg0: i32) -> (i32, i32) {
    %c0_i32 = arith.constant 0 : i32
    %c0_i32_0 = arith.constant 0 : i32
    %c0_i32_1 = arith.constant 0 : i32
    return %c0_i32, %c0_i32_0 : i32, i32
  }
  func.func @transform_12(%arg0: i32) -> (i32, i32) {
    %c0_i32 = arith.constant 0 : i32
    %c0_i32_0 = arith.constant 0 : i32
    %c0_i32_1 = arith.constant 0 : i32
    return %c0_i32, %c0_i32_0 : i32, i32
  }
}

module attributes {stable_mosaic.version = 14 : i64} {
  func.func @_pass2a_body(%arg0: i32, %arg1: memref<8x512x3xf32, #tpu.memory_space<vmem>>, %arg2: memref<512x16xf32, #tpu.memory_space<vmem>>, %arg3: memref<8x64xf32, #tpu.memory_space<vmem>>, %arg4: memref<83x64xf32, #tpu.memory_space<vmem>>, %arg5: memref<64xf32, #tpu.memory_space<vmem>>, %arg6: memref<64x64xf32, #tpu.memory_space<vmem>>, %arg7: memref<64xf32, #tpu.memory_space<vmem>>, %arg8: memref<64x512xf32, #tpu.memory_space<vmem>>, %arg9: memref<512xf32, #tpu.memory_space<vmem>>, %arg10: memref<8x512x1xf32, #tpu.memory_space<vmem>>) attributes {dimension_semantics = [#tpu.dimension_semantics<arbitrary>], iteration_bounds = array<i64: 16>, scalar_prefetch = 0 : i64, scratch_operands = 0 : i64, tpu.core_type = #tpu.core_type<tc>, window_params = [{transform_indices = @transform_0, window_bounds = array<i64: 8, 512, 3>}, {transform_indices = @transform_1, window_bounds = array<i64: 512, 16>}, {pipeline_mode = #tpu.pipeline_mode<synchronous>, transform_indices = @transform_2, window_bounds = array<i64: 8, 64>}, {pipeline_mode = #tpu.pipeline_mode<synchronous>, transform_indices = @transform_3, window_bounds = array<i64: 83, 64>}, {pipeline_mode = #tpu.pipeline_mode<synchronous>, transform_indices = @transform_4, window_bounds = array<i64: 64>}, {pipeline_mode = #tpu.pipeline_mode<synchronous>, transform_indices = @transform_5, window_bounds = array<i64: 64, 64>}, {pipeline_mode = #tpu.pipeline_mode<synchronous>, transform_indices = @transform_6, window_bounds = array<i64: 64>}, {pipeline_mode = #tpu.pipeline_mode<synchronous>, transform_indices = @transform_7, window_bounds = array<i64: 64, 512>}, {pipeline_mode = #tpu.pipeline_mode<synchronous>, transform_indices = @transform_8, window_bounds = array<i64: 512>}, {transform_indices = @transform_9, window_bounds = array<i64: 8, 512, 1>}]} {
    %get3A = arith.constant 0 : index
    %get3A_0 = arith.constant 0 : index
    %get3A_1 = arith.constant 0 : index
    %get3A_2 = vector.load %arg1[%get3A, %get3A_0, %get3A_1] : memref<8x512x3xf32, #tpu.memory_space<vmem>>, vector<8x512x3xf32>
    %reshape3A = vector.shape_cast %get3A_2 : vector<8x512x3xf32> to vector<4096x3xf32>
    %get3A_3 = arith.constant 0 : index
    %get3A_4 = arith.constant 0 : index
    %get3A_5 = vector.load %arg2[%get3A_3, %get3A_4] : memref<512x16xf32, #tpu.memory_space<vmem>>, vector<512x16xf32>
    %broadcast_in_dim3A = vector.shape_cast %get3A_5 : vector<512x16xf32> to vector<1x512x16xf32>
    %broadcast_in_dim3A_6 = vector.shape_cast %broadcast_in_dim3A : vector<1x512x16xf32> to vector<1x512x16xf32>
    %broadcast_in_dim3A_7 = vector.broadcast %broadcast_in_dim3A_6 : vector<1x512x16xf32> to vector<8x512x16xf32>
    %reshape3A_8 = vector.shape_cast %broadcast_in_dim3A_7 : vector<8x512x16xf32> to vector<4096x16xf32>
    %get3A_9 = arith.constant 0 : index
    %get3A_10 = arith.constant 0 : index
    %get3A_11 = vector.load %arg3[%get3A_9, %get3A_10] : memref<8x64xf32, #tpu.memory_space<vmem>>, vector<8x64xf32>
    %broadcast_in_dim3A_12 = vector.shape_cast %get3A_11 : vector<8x64xf32> to vector<8x1x64xf32>
    %broadcast_in_dim3A_13 = vector.shape_cast %broadcast_in_dim3A_12 : vector<8x1x64xf32> to vector<8x1x64xf32>
    %broadcast_in_dim3A_14 = vector.broadcast %broadcast_in_dim3A_13 : vector<8x1x64xf32> to vector<8x512x64xf32>
    %reshape3A_15 = vector.shape_cast %broadcast_in_dim3A_14 : vector<8x512x64xf32> to vector<4096x64xf32>
    %concatenate3A = tpu.concatenate %reshape3A, %reshape3A_8, %reshape3A_15 in 1 : vector<4096x3xf32>, vector<4096x16xf32>, vector<4096x64xf32> -> vector<4096x83xf32>
    %get3A_16 = arith.constant 0 : index
    %get3A_17 = arith.constant 0 : index
    %get3A_18 = vector.load %arg4[%get3A_16, %get3A_17] : memref<83x64xf32, #tpu.memory_space<vmem>>, vector<83x64xf32>
    %dot_general3A = arith.constant dense<0.000000e+00> : vector<4096x64xf32>
    %dot_general3A_19 = tpu.matmul %concatenate3A, %get3A_18, %dot_general3A {dimension_numbers = #tpu.dot_dimension_numbers<[1], [0], [0], [1], [0, 0, 1, 1], [], []>, transpose_lhs_hint = false} : vector<4096x83xf32>, vector<83x64xf32>, vector<4096x64xf32> -> vector<4096x64xf32>
    %get3A_20 = arith.constant 0 : index
    %get3A_21 = vector.load %arg5[%get3A_20] : memref<64xf32, #tpu.memory_space<vmem>>, vector<64xf32>
    %broadcast_in_dim3A_22 = vector.shape_cast %get3A_21 : vector<64xf32> to vector<1x64xf32>
    %add3A = vector.broadcast %broadcast_in_dim3A_22 : vector<1x64xf32> to vector<4096x64xf32>
    %add3A_23 = arith.addf %dot_general3A_19, %add3A : vector<4096x64xf32>
    %max3A = arith.constant 0.000000e+00 : f32
    %max3A_24 = vector.broadcast %max3A : f32 to vector<4096x64xf32>
    %max3A_25 = arith.maximumf %add3A_23, %max3A_24 : vector<4096x64xf32>
    %get3A_26 = arith.constant 0 : index
    %get3A_27 = arith.constant 0 : index
    %get3A_28 = vector.load %arg6[%get3A_26, %get3A_27] : memref<64x64xf32, #tpu.memory_space<vmem>>, vector<64x64xf32>
    %dot_general3A_29 = arith.constant dense<0.000000e+00> : vector<4096x64xf32>
    %dot_general3A_30 = tpu.matmul %max3A_25, %get3A_28, %dot_general3A_29 {dimension_numbers = #tpu.dot_dimension_numbers<[1], [0], [0], [1], [0, 0, 1, 1], [], []>, transpose_lhs_hint = false} : vector<4096x64xf32>, vector<64x64xf32>, vector<4096x64xf32> -> vector<4096x64xf32>
    %get3A_31 = arith.constant 0 : index
    %get3A_32 = vector.load %arg7[%get3A_31] : memref<64xf32, #tpu.memory_space<vmem>>, vector<64xf32>
    %broadcast_in_dim3A_33 = vector.shape_cast %get3A_32 : vector<64xf32> to vector<1x64xf32>
    %add3A_34 = vector.broadcast %broadcast_in_dim3A_33 : vector<1x64xf32> to vector<4096x64xf32>
    %add3A_35 = arith.addf %dot_general3A_30, %add3A_34 : vector<4096x64xf32>
    %max3A_36 = arith.constant 0.000000e+00 : f32
    %max3A_37 = vector.broadcast %max3A_36 : f32 to vector<4096x64xf32>
    %max3A_38 = arith.maximumf %add3A_35, %max3A_37 : vector<4096x64xf32>
    %get3A_39 = arith.constant 0 : index
    %get3A_40 = arith.constant 0 : index
    %get3A_41 = vector.load %arg8[%get3A_39, %get3A_40] : memref<64x512xf32, #tpu.memory_space<vmem>>, vector<64x512xf32>
    %dot_general3A_42 = arith.constant dense<0.000000e+00> : vector<4096x512xf32>
    %dot_general3A_43 = tpu.matmul %max3A_38, %get3A_41, %dot_general3A_42 {dimension_numbers = #tpu.dot_dimension_numbers<[1], [0], [0], [1], [0, 0, 1, 1], [], []>, transpose_lhs_hint = false} : vector<4096x64xf32>, vector<64x512xf32>, vector<4096x512xf32> -> vector<4096x512xf32>
    %get3A_44 = arith.constant 0 : index
    %get3A_45 = vector.load %arg9[%get3A_44] : memref<512xf32, #tpu.memory_space<vmem>>, vector<512xf32>
    %broadcast_in_dim3A_46 = vector.shape_cast %get3A_45 : vector<512xf32> to vector<1x512xf32>
    %add3A_47 = vector.broadcast %broadcast_in_dim3A_46 : vector<1x512xf32> to vector<4096x512xf32>
    %add3A_48 = arith.addf %dot_general3A_43, %add3A_47 : vector<4096x512xf32>
    %reduce_max3A = arith.constant dense<0xFF800000> : vector<4096xf32>
    %reduce_max3A_49 = vector.multi_reduction <maximumf>, %add3A_48, %reduce_max3A [1] : vector<4096x512xf32> to vector<4096xf32>
    %broadcast_in_dim3A_50 = vector.shape_cast %reduce_max3A_49 : vector<4096xf32> to vector<4096x1xf32>
    %eq3A = vector.broadcast %broadcast_in_dim3A_50 : vector<4096x1xf32> to vector<4096x512xf32>
    %eq3A_51 = arith.cmpf oeq, %add3A_48, %eq3A : vector<4096x512xf32>
    %convert_element_type3A = arith.extui %eq3A_51 : vector<4096x512xi1> to vector<4096x512xi32>
    %convert_element_type3A_52 = arith.sitofp %convert_element_type3A : vector<4096x512xi32> to vector<4096x512xf32>
    %iota3A = tpu.iota {dimensions = array<i32: 0>} : vector<512x1xi32>
    %convert_element_type3A_53 = arith.sitofp %iota3A : vector<512x1xi32> to vector<512x1xf32>
    %dot_general3A_54 = arith.constant dense<0.000000e+00> : vector<4096x1xf32>
    %dot_general3A_55 = tpu.matmul %convert_element_type3A_52, %convert_element_type3A_53, %dot_general3A_54 {dimension_numbers = #tpu.dot_dimension_numbers<[1], [0], [0], [1], [0, 0, 1, 1], [], []>, precision = #tpu.contract_precision<fp32>, transpose_lhs_hint = false} : vector<4096x512xf32>, vector<512x1xf32>, vector<4096x1xf32> -> vector<4096x1xf32>
    %reshape3A_56 = vector.shape_cast %dot_general3A_55 : vector<4096x1xf32> to vector<8x512x1xf32>
    %swap3A = arith.constant 0 : index
    %swap3A_57 = arith.constant 0 : index
    %swap3A_58 = arith.constant 0 : index
    %swap3A_59 = vector.load %arg10[%swap3A, %swap3A_57, %swap3A_58] : memref<8x512x1xf32, #tpu.memory_space<vmem>>, vector<8x512x1xf32>
    tpu.vector_store %arg10[%swap3A, %swap3A_57, %swap3A_58], %reshape3A_56 {strides = array<i32>} : memref<8x512x1xf32, #tpu.memory_space<vmem>>, vector<8x512x1xf32>,
    return
  }
  func.func @transform_0(%arg0: i32) -> (i32, i32, i32) {
    %c0_i32 = arith.constant 0 : i32
    %c0_i32_0 = arith.constant 0 : i32
    %c0_i32_1 = arith.constant 0 : i32
    return %c0_i32, %arg0, %c0_i32_0 : i32, i32, i32
  }
  func.func @transform_1(%arg0: i32) -> (i32, i32) {
    %c0_i32 = arith.constant 0 : i32
    %c0_i32_0 = arith.constant 0 : i32
    return %arg0, %c0_i32 : i32, i32
  }
  func.func @transform_2(%arg0: i32) -> (i32, i32) {
    %c0_i32 = arith.constant 0 : i32
    %c0_i32_0 = arith.constant 0 : i32
    %c0_i32_1 = arith.constant 0 : i32
    return %c0_i32, %c0_i32_0 : i32, i32
  }
  func.func @transform_3(%arg0: i32) -> (i32, i32) {
    %c0_i32 = arith.constant 0 : i32
    %c0_i32_0 = arith.constant 0 : i32
    %c0_i32_1 = arith.constant 0 : i32
    return %c0_i32, %c0_i32_0 : i32, i32
  }
  func.func @transform_4(%arg0: i32) -> i32 {
    %c0_i32 = arith.constant 0 : i32
    %c0_i32_0 = arith.constant 0 : i32
    return %c0_i32 : i32
  }
  func.func @transform_5(%arg0: i32) -> (i32, i32) {
    %c0_i32 = arith.constant 0 : i32
    %c0_i32_0 = arith.constant 0 : i32
    %c0_i32_1 = arith.constant 0 : i32
    return %c0_i32, %c0_i32_0 : i32, i32
  }
  func.func @transform_6(%arg0: i32) -> i32 {
    %c0_i32 = arith.constant 0 : i32
    %c0_i32_0 = arith.constant 0 : i32
    return %c0_i32 : i32
  }
  func.func @transform_7(%arg0: i32) -> (i32, i32) {
    %c0_i32 = arith.constant 0 : i32
    %c0_i32_0 = arith.constant 0 : i32
    %c0_i32_1 = arith.constant 0 : i32
    return %c0_i32, %c0_i32_0 : i32, i32
  }
  func.func @transform_8(%arg0: i32) -> i32 {
    %c0_i32 = arith.constant 0 : i32
    %c0_i32_0 = arith.constant 0 : i32
    return %c0_i32 : i32
  }
  func.func @transform_9(%arg0: i32) -> (i32, i32, i32) {
    %c0_i32 = arith.constant 0 : i32
    %c0_i32_0 = arith.constant 0 : i32
    %c0_i32_1 = arith.constant 0 : i32
    return %c0_i32, %arg0, %c0_i32_0 : i32, i32, i32
  }
}

module attributes {stable_mosaic.version = 14 : i64} {
  func.func @_pass2b_body(%arg0: i32, %arg1: memref<512x16xf32, #tpu.memory_space<vmem>>, %arg2: memref<8x512x1xf32, #tpu.memory_space<vmem>>, %arg3: memref<8x64xf32, #tpu.memory_space<vmem>>, %arg4: memref<16x64xf32, #tpu.memory_space<vmem>>, %arg5: memref<512x64xf32, #tpu.memory_space<vmem>>, %arg6: memref<64x64xf32, #tpu.memory_space<vmem>>, %arg7: memref<64xf32, #tpu.memory_space<vmem>>, %arg8: memref<64x3xf32, #tpu.memory_space<vmem>>, %arg9: memref<3xf32, #tpu.memory_space<vmem>>, %arg10: memref<8x512x3xf32, #tpu.memory_space<vmem>>) attributes {dimension_semantics = [#tpu.dimension_semantics<arbitrary>], iteration_bounds = array<i64: 16>, scalar_prefetch = 0 : i64, scratch_operands = 0 : i64, tpu.core_type = #tpu.core_type<tc>, window_params = [{transform_indices = @transform_0, window_bounds = array<i64: 512, 16>}, {transform_indices = @transform_1, window_bounds = array<i64: 8, 512, 1>}, {pipeline_mode = #tpu.pipeline_mode<synchronous>, transform_indices = @transform_2, window_bounds = array<i64: 8, 64>}, {pipeline_mode = #tpu.pipeline_mode<synchronous>, transform_indices = @transform_3, window_bounds = array<i64: 16, 64>}, {pipeline_mode = #tpu.pipeline_mode<synchronous>, transform_indices = @transform_4, window_bounds = array<i64: 512, 64>}, {pipeline_mode = #tpu.pipeline_mode<synchronous>, transform_indices = @transform_5, window_bounds = array<i64: 64, 64>}, {pipeline_mode = #tpu.pipeline_mode<synchronous>, transform_indices = @transform_6, window_bounds = array<i64: 64>}, {pipeline_mode = #tpu.pipeline_mode<synchronous>, transform_indices = @transform_7, window_bounds = array<i64: 64, 3>}, {pipeline_mode = #tpu.pipeline_mode<synchronous>, transform_indices = @transform_8, window_bounds = array<i64: 3>}, {transform_indices = @transform_9, window_bounds = array<i64: 8, 512, 3>}]} {
    %get3A = arith.constant 0 : index
    %get3A_0 = arith.constant 0 : index
    %get3A_1 = vector.load %arg1[%get3A, %get3A_0] : memref<512x16xf32, #tpu.memory_space<vmem>>, vector<512x16xf32>
    %broadcast_in_dim3A = vector.shape_cast %get3A_1 : vector<512x16xf32> to vector<1x512x16xf32>
    %broadcast_in_dim3A_2 = vector.shape_cast %broadcast_in_dim3A : vector<1x512x16xf32> to vector<1x512x16xf32>
    %broadcast_in_dim3A_3 = vector.broadcast %broadcast_in_dim3A_2 : vector<1x512x16xf32> to vector<8x512x16xf32>
    %reshape3A = vector.shape_cast %broadcast_in_dim3A_3 : vector<8x512x16xf32> to vector<4096x16xf32>
    %get3A_4 = arith.constant 0 : index
    %get3A_5 = arith.constant 0 : index
    %get3A_6 = arith.constant 0 : index
    %get3A_7 = vector.load %arg2[%get3A_4, %get3A_5, %get3A_6] : memref<8x512x1xf32, #tpu.memory_space<vmem>>, vector<8x512x1xf32>
    %reshape3A_8 = vector.shape_cast %get3A_7 : vector<8x512x1xf32> to vector<4096x1xf32>
    %iota3A = tpu.iota {dimensions = array<i32: 1>} : vector<1x512xi32>
    %convert_element_type3A = arith.sitofp %iota3A : vector<1x512xi32> to vector<1x512xf32>
    %eq3A = vector.broadcast %convert_element_type3A : vector<1x512xf32> to vector<4096x512xf32>
    %eq3A_9 = vector.broadcast %reshape3A_8 : vector<4096x1xf32> to vector<4096x512xf32>
    %eq3A_10 = arith.cmpf oeq, %eq3A, %eq3A_9 : vector<4096x512xf32>
    %convert_element_type3A_11 = arith.extui %eq3A_10 : vector<4096x512xi1> to vector<4096x512xi32>
    %convert_element_type3A_12 = arith.sitofp %convert_element_type3A_11 : vector<4096x512xi32> to vector<4096x512xf32>
    %get3A_13 = arith.constant 0 : index
    %get3A_14 = arith.constant 0 : index
    %get3A_15 = vector.load %arg3[%get3A_13, %get3A_14] : memref<8x64xf32, #tpu.memory_space<vmem>>, vector<8x64xf32>
    %broadcast_in_dim3A_16 = vector.shape_cast %get3A_15 : vector<8x64xf32> to vector<8x1x64xf32>
    %broadcast_in_dim3A_17 = vector.shape_cast %broadcast_in_dim3A_16 : vector<8x1x64xf32> to vector<8x1x64xf32>
    %broadcast_in_dim3A_18 = vector.broadcast %broadcast_in_dim3A_17 : vector<8x1x64xf32> to vector<8x512x64xf32>
    %reshape3A_19 = vector.shape_cast %broadcast_in_dim3A_18 : vector<8x512x64xf32> to vector<4096x64xf32>
    %get3A_20 = arith.constant 0 : index
    %get3A_21 = arith.constant 0 : index
    %get3A_22 = vector.load %arg4[%get3A_20, %get3A_21] : memref<16x64xf32, #tpu.memory_space<vmem>>, vector<16x64xf32>
    %dot_general3A = arith.constant dense<0.000000e+00> : vector<4096x64xf32>
    %dot_general3A_23 = tpu.matmul %reshape3A, %get3A_22, %dot_general3A {dimension_numbers = #tpu.dot_dimension_numbers<[1], [0], [0], [1], [0, 0, 1, 1], [], []>, transpose_lhs_hint = false} : vector<4096x16xf32>, vector<16x64xf32>, vector<4096x64xf32> -> vector<4096x64xf32>
    %get3A_24 = arith.constant 0 : index
    %get3A_25 = arith.constant 0 : index
    %get3A_26 = vector.load %arg5[%get3A_24, %get3A_25] : memref<512x64xf32, #tpu.memory_space<vmem>>, vector<512x64xf32>
    %dot_general3A_27 = arith.constant dense<0.000000e+00> : vector<4096x64xf32>
    %dot_general3A_28 = tpu.matmul %convert_element_type3A_12, %get3A_26, %dot_general3A_27 {dimension_numbers = #tpu.dot_dimension_numbers<[1], [0], [0], [1], [0, 0, 1, 1], [], []>, transpose_lhs_hint = false} : vector<4096x512xf32>, vector<512x64xf32>, vector<4096x64xf32> -> vector<4096x64xf32>
    %add3A = arith.addf %dot_general3A_23, %dot_general3A_28 : vector<4096x64xf32>
    %add3A_29 = arith.addf %add3A, %reshape3A_19 : vector<4096x64xf32>
    %max3A = arith.constant 0.000000e+00 : f32
    %max3A_30 = vector.broadcast %max3A : f32 to vector<4096x64xf32>
    %max3A_31 = arith.maximumf %add3A_29, %max3A_30 : vector<4096x64xf32>
    %get3A_32 = arith.constant 0 : index
    %get3A_33 = arith.constant 0 : index
    %get3A_34 = vector.load %arg6[%get3A_32, %get3A_33] : memref<64x64xf32, #tpu.memory_space<vmem>>, vector<64x64xf32>
    %dot_general3A_35 = arith.constant dense<0.000000e+00> : vector<4096x64xf32>
    %dot_general3A_36 = tpu.matmul %max3A_31, %get3A_34, %dot_general3A_35 {dimension_numbers = #tpu.dot_dimension_numbers<[1], [0], [0], [1], [0, 0, 1, 1], [], []>, transpose_lhs_hint = false} : vector<4096x64xf32>, vector<64x64xf32>, vector<4096x64xf32> -> vector<4096x64xf32>
    %get3A_37 = arith.constant 0 : index
    %get3A_38 = vector.load %arg7[%get3A_37] : memref<64xf32, #tpu.memory_space<vmem>>, vector<64xf32>
    %broadcast_in_dim3A_39 = vector.shape_cast %get3A_38 : vector<64xf32> to vector<1x64xf32>
    %add3A_40 = vector.broadcast %broadcast_in_dim3A_39 : vector<1x64xf32> to vector<4096x64xf32>
    %add3A_41 = arith.addf %dot_general3A_36, %add3A_40 : vector<4096x64xf32>
    %max3A_42 = arith.constant 0.000000e+00 : f32
    %max3A_43 = vector.broadcast %max3A_42 : f32 to vector<4096x64xf32>
    %max3A_44 = arith.maximumf %add3A_41, %max3A_43 : vector<4096x64xf32>
    %get3A_45 = arith.constant 0 : index
    %get3A_46 = arith.constant 0 : index
    %get3A_47 = vector.load %arg8[%get3A_45, %get3A_46] : memref<64x3xf32, #tpu.memory_space<vmem>>, vector<64x3xf32>
    %dot_general3A_48 = arith.constant dense<0.000000e+00> : vector<4096x3xf32>
    %dot_general3A_49 = tpu.matmul %max3A_44, %get3A_47, %dot_general3A_48 {dimension_numbers = #tpu.dot_dimension_numbers<[1], [0], [0], [1], [0, 0, 1, 1], [], []>, transpose_lhs_hint = false} : vector<4096x64xf32>, vector<64x3xf32>, vector<4096x3xf32> -> vector<4096x3xf32>
    %get3A_50 = arith.constant 0 : index
    %get3A_51 = vector.load %arg9[%get3A_50] : memref<3xf32, #tpu.memory_space<vmem>>, vector<3xf32>
    %broadcast_in_dim3A_52 = vector.shape_cast %get3A_51 : vector<3xf32> to vector<1x3xf32>
    %add3A_53 = vector.broadcast %broadcast_in_dim3A_52 : vector<1x3xf32> to vector<4096x3xf32>
    %add3A_54 = arith.addf %dot_general3A_49, %add3A_53 : vector<4096x3xf32>
    %reshape3A_55 = vector.shape_cast %add3A_54 : vector<4096x3xf32> to vector<8x512x3xf32>
    %swap3A = arith.constant 0 : index
    %swap3A_56 = arith.constant 0 : index
    %swap3A_57 = arith.constant 0 : index
    %swap3A_58 = vector.load %arg10[%swap3A, %swap3A_56, %swap3A_57] : memref<8x512x3xf32, #tpu.memory_space<vmem>>, vector<8x512x3xf32>
    tpu.vector_store %arg10[%swap3A, %swap3A_56, %swap3A_57], %reshape3A_55 {strides = array<i32>} : memref<8x512x3xf32, #tpu.memory_space<vmem>>, vector<8x512x3xf32>,
    return
  }
  func.func @transform_0(%arg0: i32) -> (i32, i32) {
    %c0_i32 = arith.constant 0 : i32
    %c0_i32_0 = arith.constant 0 : i32
    return %arg0, %c0_i32 : i32, i32
  }
  func.func @transform_1(%arg0: i32) -> (i32, i32, i32) {
    %c0_i32 = arith.constant 0 : i32
    %c0_i32_0 = arith.constant 0 : i32
    %c0_i32_1 = arith.constant 0 : i32
    return %c0_i32, %arg0, %c0_i32_0 : i32, i32, i32
  }
  func.func @transform_2(%arg0: i32) -> (i32, i32) {
    %c0_i32 = arith.constant 0 : i32
    %c0_i32_0 = arith.constant 0 : i32
    %c0_i32_1 = arith.constant 0 : i32
    return %c0_i32, %c0_i32_0 : i32, i32
  }
  func.func @transform_3(%arg0: i32) -> (i32, i32) {
    %c0_i32 = arith.constant 0 : i32
    %c0_i32_0 = arith.constant 0 : i32
    %c0_i32_1 = arith.constant 0 : i32
    return %c0_i32, %c0_i32_0 : i32, i32
  }
  func.func @transform_4(%arg0: i32) -> (i32, i32) {
    %c0_i32 = arith.constant 0 : i32
    %c0_i32_0 = arith.constant 0 : i32
    %c0_i32_1 = arith.constant 0 : i32
    return %c0_i32, %c0_i32_0 : i32, i32
  }
  func.func @transform_5(%arg0: i32) -> (i32, i32) {
    %c0_i32 = arith.constant 0 : i32
    %c0_i32_0 = arith.constant 0 : i32
    %c0_i32_1 = arith.constant 0 : i32
    return %c0_i32, %c0_i32_0 : i32, i32
  }
  func.func @transform_6(%arg0: i32) -> i32 {
    %c0_i32 = arith.constant 0 : i32
    %c0_i32_0 = arith.constant 0 : i32
    return %c0_i32 : i32
  }
  func.func @transform_7(%arg0: i32) -> (i32, i32) {
    %c0_i32 = arith.constant 0 : i32
    %c0_i32_0 = arith.constant 0 : i32
    %c0_i32_1 = arith.constant 0 : i32
    return %c0_i32, %c0_i32_0 : i32, i32
  }
  func.func @transform_8(%arg0: i32) -> i32 {
    %c0_i32 = arith.constant 0 : i32
    %c0_i32_0 = arith.constant 0 : i32
    return %c0_i32 : i32
  }
  func.func @transform_9(%arg0: i32) -> (i32, i32, i32) {
    %c0_i32 = arith.constant 0 : i32
    %c0_i32_0 = arith.constant 0 : i32
    %c0_i32_1 = arith.constant 0 : i32
    return %c0_i32, %arg0, %c0_i32_0 : i32, i32, i32
  }
}

</mosaic_0001>

<sc_bundles>
// kernel: kernel.6.cloned.1.call-start
scs
__scs_entry_jumppad:
0x0: {  	(pc) =	sbr.rel $0x88, $3  }
0x1: {  	(tag) =	ssettag $0x0;
	lr =	simm.s32 $0x1  }
0x2: {  	[smem:$0x3F8E] =	sst lr;
	_ =	strace $0xD0000000  }
0x3: {  	_ = 	snop  }
0x4: {  	_ = 	snop  }
0x5: {  	_ = 	snop  }
0x6: {  	_ = 	snop  }
0x7: {  	_ = 	snop  }
__scs_overlays_trampoline_lowered:
0x8: {  	[smem:$0x3F9D] =	sst s0  }
0x9: {  	[smem:$0x3F9E] =	sst s1  }
0xa: {  	[smem:$0x3F9F] =	sst s2  }
0xb: {  	[smem:$0x3FA0] =	sst s3  }
0xc: {  	[smem:$0x3FA1] =	sst s4  }
0xd: {  	[smem:$0x3FA2] =	sst s5  }
0xe: {  	[smem:$0x3FA3] =	sst s6  }
0xf: {  	[smem:$0x3FA4] =	sst s7  }
0x10: {  	[smem:$0x3FA5] =	sst s8  }
0x11: {  	[smem:$0x3FA6] =	sst s9;
	s0 =	simm.s32 @!p0 $0x0  }
0x12: {  	s1 =	sld [smem:$0x3F8C];
	s0 =	simm.s32 @p0 $0x1  }
0x13: {  	[smem:$0x3FA7] =	sst s0;
	s0 =	simm.s32 @!p1 $0x0  }
0x14: {  	s2 =	sld [smem:$0x3F8B];
	s0 =	simm.s32 @p1 $0x1  }
0x15: {  	[smem:$0x3FA8] =	sst s0;
	s0 =	simm.s32 @!p2 $0x0  }
0x16: {  	s3 =	sld [smem:$0x3FDB];
	s0 =	simm.s32 @p2 $0x1  }
0x17: {  	s4 =	simm.s32 $0x1BF5;
	[smem:$0x3FAA] =	sst s0  }
0x18: {  	s0 =	sld [smem:$0x3F8D];
	_ =	swait.ge [sflag:s4], $0x0  }
0x19: {  	s7 =	sld [smem:$0x3F8E]  }
0x1a: {  	s8 =	sadd.s32 $0xFFFFE003, lr  }
0x1b: {  	s9 =	sadd.s32 $0xFFFFFEF7, lr;
	s5 =	simm.s32 $0xFFFFFFFF;
	p2 =	slt.u32 s8, $0xFFFFF086  }
0x1c: {  	p1 =	slt.u32 s9, $0xF7A;
	s5 =	simm.s32 @!p2 $0x0  }
0x1d: {  	s5 =	simm.s32 @p1 $0x1;
	p0 =	seq.s32 s7, s2  }
0x1e: {  	s7 =	smul.u32 @!p0 $0xF7A, s2;
	p2 =	seq.s32 @!p0 s5, $0x0  }
0x1f: {  	s9 =	smul.u32 $0xF7A, s1;
	s8 =	simm.s32 @!p0 $0x1BF5;
	p2 =	por !p2, p0  }
0x20: {  	[sflag:s8] =	ssyncset.s32 @!p0 $0xFFFFF086;
	s6 =	sadd.s32 @!p0 s3, s7;
	s7 =	simm.s32 @!p0 $0x108  }
0x21: {  	s3 =	sadd.s32 s3, s9;
	s6 =	sadd.s32 @!p0 $0x88, s6;
	s7 =	simm.s32 @p2 $0x1082  }
0x22: {  	[simem:s7], [sflag:s8] =	dma.local @!p0 [hbm:s6], $0xF7A  }
0x23: {  	s9 =	sor.u32 $0xD0000000, s2;
	s6 =	simm.s32 $0x108;
	_ =	swait.ge @!p0 [sflag:s8], $0x0  }
0x24: {  	s3 =	sadd.s32 $0x88, s3;
	s6 =	simm.s32 @!p1 $0x1082;
	[sflag:s4] =	ssyncset.s32 $0xFFFFF086  }
0x25: {  	[simem:s6], [sflag:s4] =	dma.local [hbm:s3], $0xF7A  }
0x26: {  	[smem:$0x3F8E] =	sst s1;
	(tag) =	ssettag s2;
	_ =	strace s9  }
0x27: {  	s1 =	sld [smem:$0x3F9E]  }
0x28: {  	s2 =	sld [smem:$0x3F9F]  }
0x29: {  	s4 =	sld [smem:$0x3FA1]  }
0x2a: {  	p0 =	seq.s32 s5, $0x0;
	s5 =	sld [smem:$0x3FA2]  }
0x2b: {  	s6 =	sld [smem:$0x3FA3]  }
0x2c: {  	s7 =	sld [smem:$0x3FA4]  }
0x2d: {  	s3 =	simm.s32 $0x108;
	s8 =	sld [smem:$0x3FA5]  }
0x2e: {  	s3 =	simm.s32 @!p0 $0x1082;
	s9 =	sld [smem:$0x3FA6]  }
0x2f: {  	lr =	sadd.s32 s0, s3;
	s0 =	sld [smem:$0x3F9D]  }
0x30: {  	s3 =	sld [smem:$0x3FA0]  }
0x31: {  	[smem:$0x3FA9] =	sst s10  }
0x32: {  	s10 =	sld [smem:$0x3FA7];
	_ =	sdelay $0x3  }
0x33: {  	p0 =	seq.s32 s10, $0x1;
	s10 =	sld [smem:$0x3FA9];
	_ =	sdelay $0x3  }
0x34: {  	[smem:$0x3FA9] =	sst s10  }
0x35: {  	s10 =	sld [smem:$0x3FA8];
	_ =	sdelay $0x3  }
0x36: {  	p1 =	seq.s32 s10, $0x1;
	s10 =	sld [smem:$0x3FA9];
	_ =	sdelay $0x3  }
0x37: {  	[smem:$0x3FA9] =	sst s10  }
0x38: {  	s10 =	sld [smem:$0x3FAA]  }
0x39: {  	_ = 	snop;
	(pc) =	sbr.ind lr, $3  }
0x3a: {  	_ = 	snop  }
0x3b: {  	_ = 	snop  }
0x3c: {  	p2 =	seq.s32 s10, $0x1;
	s10 =	sld [smem:$0x3FA9]  }
0x3d: {  	_ =	shalt  }
0x3e: {  	_ =	shalt  }
0x3f: {  	_ =	shalt  }
0x40: {  	_ =	shalt  }
0x41: {  	_ =	shalt  }
0x42: {  	_ =	shalt  }
0x43: {  	_ =	shalt  }
0x44: {  	_ =	shalt  }
0x45: {  	_ =	shalt  }
0x46: {  	_ =	shalt  }
0x47: {  	_ =	shalt  }
0x48: {  	_ =	shalt  }
0x49: {  	_ =	shalt  }
0x4a: {  	_ =	shalt  }
0x4b: {  	_ =	shalt  }
0x4c: {  	_ =	shalt  }
0x4d: {  	_ =	shalt  }
0x4e: {  	_ =	shalt  }
0x4f: {  	_ =	shalt  }
0x50: {  	_ =	shalt  }
0x51: {  	_ =	shalt  }
0x52: {  	_ =	shalt  }
0x53: {  	_ =	shalt  }
0x54: {  	_ =	shalt  }
0x55: {  	_ =	shalt  }
0x56: {  	_ =	shalt  }
0x57: {  	_ =	shalt  }
0x58: {  	_ =	shalt  }
0x59: {  	_ =	shalt  }
0x5a: {  	_ =	shalt  }
0x5b: {  	_ =	shalt  }
0x5c: {  	_ =	shalt  }
0x5d: {  	_ =	shalt  }
0x5e: {  	_ =	shalt  }
0x5f: {  	_ =	shalt  }
0x60: {  	_ =	shalt  }
0x61: {  	_ =	shalt  }
0x62: {  	_ =	shalt  }
0x63: {  	_ =	shalt  }
0x64: {  	_ =	shalt  }
0x65: {  	_ =	shalt  }
0x66: {  	_ =	shalt  }
0x67: {  	_ =	shalt  }
0x68: {  	_ =	shalt  }
0x69: {  	_ =	shalt  }
0x6a: {  	_ =	shalt  }
0x6b: {  	_ =	shalt  }
0x6c: {  	_ =	shalt  }
0x6d: {  	_ =	shalt  }
0x6e: {  	_ =	shalt  }
0x6f: {  	_ =	shalt  }
0x70: {  	_ =	shalt  }
0x71: {  	_ =	shalt  }
0x72: {  	_ =	shalt  }
0x73: {  	_ =	shalt  }
0x74: {  	_ =	shalt  }
0x75: {  	_ =	shalt  }
0x76: {  	_ =	shalt  }
0x77: {  	_ =	shalt  }
0x78: {  	_ =	shalt  }
0x79: {  	_ =	shalt  }
0x7a: {  	_ =	shalt  }
0x7b: {  	_ =	shalt  }
0x7c: {  	_ =	shalt  }
0x7d: {  	_ =	shalt  }
0x7e: {  	_ =	shalt  }
0x7f: {  	_ =	shalt  }
0x80: {  	_ =	shalt  }
0x81: {  	_ =	shalt  }
0x82: {  	_ =	shalt  }
0x83: {  	_ =	shalt  }
0x84: {  	_ =	shalt  }
0x85: {  	_ =	shalt  }
0x86: {  	_ =	shalt  }
0x87: {  	_ =	shalt  }
.Lfunc_end0:
.L_simem_size_0:
called_computation_lowered:
.L_overlay_start_0:
0x88: {  	s2 =	sld [smem:$0x3FD9]  }
0x89: {  	s3 =	sld [smem:$0x3FFE];
	_ =	sdelay $0x1  }
0x8a: {  	s1 =	srdreg.scid  }
0x8b: {  	s0 =	sand.u32 $0x1, s1  }
0x8c: {  	s16 =	sshll.u32 s0, $0xA;
	s2 =	sadd.s32 s3, s2  }
0x8d: {  	s2 =	sadd.s32 s2, s16  }
0x8e: {  	[smem:$0x3FB5] =	sst s2  }
0x8f: {  	_ = 	snop  }
0x90: {  	(tm) =	ssettm $0x1  }
0x91: {  	s17 =	sld [smem:$0x3FFB];
	_ =	sdelay $0x3  }
0x92: {  	_ =	strace s17  }
0x93: {  	s2 =	sld [smem:$0x3FFC];
	_ =	sdelay $0x3  }
0x94: {  	_ =	strace s2  }
0x95: {  	s2 =	sld [smem:$0x3FFD];
	_ =	sdelay $0x3  }
0x96: {  	_ =	strace s2  }
0x97: {  	_ =	strace $0x8FFFFFFF  }
0x98: {  	s18 =	sld [smem:$0x3FDB];
	_ =	sdelay $0x1  }
0x99: {  	s19 =	simm.s32 $_scs_section_size  }
0x9a: {  	s4 =	simm.s32 $_size__tile_overlayer_lowered;
	s5 =	simm.s32 $_tile_overlayer_lowered  }
0x9b: {  	s22 =	simm.s32 $0x1BFF;
	s21 =	sshll.u32 s5, $0x1;
	s2 =	sadd.s32 s19, s18  }
0x9c: {  	s6 =	simm.s32 $0x0;
	s20 =	sshll.u32 s4, $0x1;
	s4 =	sadd.s32 s21, s2  }
0x9d: {  	[timem:s6], [sflag:s22] =	dma.local [hbm:s4], s20  }
0x9e: {  	_ =	swait.ge [sflag:s22], s20  }
0x9f: {  	s3 =	ssub.s32 $0x0, s20;
	[sflag:s22] =	ssyncset.done $0x0  }
0xa0: {  	[sflag:s22] =	ssyncadd.s32 s3;
	_ =	sdelay $0x1  }
0xa1: {  	s23 =	simm.s32 $0x1B8B  }
0xa2: {  	_ =	swait.ge [sflag:s23], $0x1  }
0xa3: {  	[sflag:s23] =	ssyncset.done $0x0  }
0xa4: {  	s25 =	simm.s32 $0x1B8E;
	s24 =	sld [smem:$0x3FFE];
	[sflag:s23] =	ssyncadd.s32 $0xFFFFFFFF  }
0xa5: {  	s26 =	simm.s32 $execute0_lowered;
	[smem:$0x3FD2] =	sst s25  }
0xa6: {  	s4 =	sshll.u32 s26, $0x1;
	_ =	strace $0x80000046;
	[dreg:$0x1] =	wrdreg $0xFFFFFFFF  }
0xa7: {  	s28 =	simm.s32 $_size_execute0_lowered;
	s2 =	sadd.s32 s2, s4;
	[dreg:$0x0] =	wrdreg $0x0  }
0xa8: {  	s4 =	sshll.u32 s28, $0x1;
	[dreg:$0x2] =	wrdreg s2  }
0xa9: {  	[dreg:$0x3] =	wrdreg s4  }
0xaa: {  	[dreg:$0x4] =	wrdreg $0xC0  }
0xab: {  	_ =	task [dreg:s6], $0x5FFFF  }
0xac: {  	[dreg:$0x1] =	wrdreg $0xFFFFFFFF  }
0xad: {  	[dreg:$0x0] =	wrdreg $0x60  }
0xae: {  	[dreg:$0x2] =	wrdreg s24  }
0xaf: {  	[dreg:$0x3] =	wrdreg $0x9  }
0xb0: {  	_ =	task.clear_ibuf [dreg:s6], $0x4FFFF;
	_ =	strace $0x90000046  }
0xb1: {  	s29 =	simm.s32 $0x9;
	_ =	strace $0x80000048  }
0xb2: {  	_ =	swait.ge [sflag:s29], $0x1  }
0xb3: {  	[sflag:s29] =	ssyncadd.s32 $0xFFFFFFFF  }
0xb4: {  	_ =	strace $0x90000048  }
0xb5: {  	_ =	sfence  }
0xb6: {  	s30 =	sld [smem:$0x0];
	_ =	sdelay $0x2  }
0xb7: {  	s31 =	sshll.u32 s1, $0xD;
	s1 =	sshrl.u32 s1, $0x2  }
0xb8: {  	s3 =	sand.u32 $0x4000, s31;
	s1 =	sadd.s32 s1, s30  }
0xb9: {  	s0 =	sor.u32 s3, s0;
	s1 =	sshll.u32 s1, $0x11  }
0xba: {  	s0 =	sor.u32 s1, s0  }
0xbb: {  	s0 =	sadd.s32 $0x8F2B, s0  }
0xbc: {  	[sflag:s0] =	ssyncadd.remote.s32 $0x1  }
0xbd: {  	_ =	sfence.sel $0xFFFF  }
0xbe: {  	[dreg:$0x0] =	wrdreg $0xFFFFFFFF;
	(pc) =	sbr.abs _section_cstart, $3  }
0xbf: {  	[dreg:$0x1] =	wrdreg $0xFFFFFFFF  }
0xc0: {  	_ =	task.clear_ibuf [dreg:s6], $0x2FFFF;
	_ =	strace $0x9FFFFFFF  }
0xc1: {  	(tm) =	ssettm $0x7FFFFFFF  }
tec
execute0_lowered:
.L_overlay_start_1:
0x0: {  	(tag) =	ssettag $0x1  }
0x1: {  	s3 =	rddreg [dreg:$0x0]  }
0x2: {  	s2 =	srdreg.scid;
	s0 =	rddreg [dreg:$0x1]  }
0x3: {  	s1 =	stileid.u32;
	s8 =	simm.s32 $0x1;
	s9 =	simm.s32 $0x0  }
0x4: {  	s4 =	sand.u32 $0x1, s2;
	s2 =	simm.s32 $0x0;
	s5 =	sshll.u32 s1, $0xC  }
0x5: {  	s29 =	sshll.u32 s1, $0x12;
	s6 =	sshll.u32 s4, $0xB;
	[smem:$0x7FF] =	sst s2  }
0x6: {  	v0 =	vlaneseq.u32;
	s7 =	ssub.s32 $0x2, s4;
	s4 =	sshll.u32 s4, $0x11;
	s5 =	sor.u32 s6, s5  }
0x7: {  	v0 =	vmul.u32 $0x200, v0;
	_ =	strace $0x80000047;
	s6 =	sadd.s32 s29, s3;
	s30 =	sshrl.u32 s7, $0x1  }
0x8: {  	s5 =	sshrl.u32 s5, $0x3;
	s7 =	ssub.s32 s7, s30;
	s31 =	sadd.s32 s4, s6  }
0x9: {  	v1 =	vimm.f32 $0.0e+00;
	v3 =	vor.u32 $0x2000, v0;
	s5 =	sadd.s32 s5, s3;
	s4 =	smax.u32 s7, $0x1;
	s7 =	simm.s32 $0x800  }
0xa: {  	v2 =	vimm.f32 $1.000000000e+00;
	v4 =	vor.u32 $0x4000, v0;
	v5 =	vor.u32 $0x6000, v0;
	s6 =	simm.s32 $0x2;
	s3 =	sadd.s32 $0x123600, s5;
	s5 =	sadd.s32 $0x125600, s31  }
.LBB2_1:
0xb: {  	[tilespmem:s2], [sflag:$0x2] =	stream.linear.gather [hbm4b:s3+s2], $0x800, $0x38;
	[tilespmem:$0x8800] =	vst v63  }
0xc: {  	_ =	swait.ge [sflag:s6], $0x800  }
0xd: {  	[sflag:s6] =	ssyncset.done $0x0  }
0xe: {  	s11 =	simm.s32 $0x880;
	[sflag:s6] =	ssyncadd.s32 $0xFFFFF800  }
0xf: {  	[tilespmem:s11+$0xFFFFFF80] =	vst v1  }
0x10: {  	[tilespmem:s11+$0x70] =	vst v1  }
0x11: {  	[tilespmem:s11+$0x60] =	vst v1  }
0x12: {  	[tilespmem:s11+$0x50] =	vst v1  }
0x13: {  	[tilespmem:s11+$0x40] =	vst v1  }
0x14: {  	[tilespmem:s11+$0x30] =	vst v1  }
0x15: {  	[tilespmem:s11+$0x20] =	vst v1  }
0x16: {  	[tilespmem:s11+$0x10] =	vst v1  }
0x17: {  	[tilespmem:s11+$0x0] =	vst v1  }
0x18: {  	[tilespmem:s11+$0xFFFFFFF0] =	vst v1  }
0x19: {  	[tilespmem:s11+$0xFFFFFFE0] =	vst v1  }
0x1a: {  	[tilespmem:s11+$0xFFFFFFD0] =	vst v1  }
0x1b: {  	[tilespmem:s11+$0xFFFFFFC0] =	vst v1  }
0x1c: {  	[tilespmem:s11+$0xFFFFFFB0] =	vst v1  }
0x1d: {  	s12 =	simm.s32 $0x0;
	s10 =	simm.s32 $0x20;
	[tilespmem:s11+$0xFFFFFFA0] =	vst v1  }
.LBB2_2:
0x1e: {  	s12 =	sadd.s32 $0x10, s12;
	[tilespmem:s11+$0xFFFFFF90] =	vst v1;
	s11 =	sadd.s32 $0x100, s11  }
0x1f: {  	[tilespmem:s11+$0xFFFFFF80] =	vst v1;
	p0 =	slt.u32 s12, $0x7F0  }
0x20: {  	[tilespmem:s11+$0x70] =	vst v1  }
0x21: {  	[tilespmem:s11+$0x60] =	vst v1  }
0x22: {  	[tilespmem:s11+$0x50] =	vst v1  }
0x23: {  	[tilespmem:s11+$0x40] =	vst v1  }
0x24: {  	[tilespmem:s11+$0x30] =	vst v1  }
0x25: {  	[tilespmem:s11+$0x20] =	vst v1  }
0x26: {  	[tilespmem:s11+$0x10] =	vst v1  }
0x27: {  	[tilespmem:s11+$0x0] =	vst v1  }
0x28: {  	[tilespmem:s11+$0xFFFFFFF0] =	vst v1  }
.Ltmp0:
0x29: {  	[tilespmem:s11+$0xFFFFFFE0] =	vst v1;
	(pc) =	sbr.rel @p0 .LBB2_2-.Ltmp0, $4  }
0x2a: {  	[tilespmem:s11+$0xFFFFFFD0] =	vst v1  }
0x2b: {  	[tilespmem:s11+$0xFFFFFFC0] =	vst v1  }
0x2c: {  	[tilespmem:s11+$0xFFFFFFB0] =	vst v1  }
0x2d: {  	[tilespmem:s11+$0xFFFFFFA0] =	vst v1  }
0x2e: {  	[tilespmem:s11+$0xFFFFFF90] =	vst v1;
	s11 =	simm.s32 $0x0  }
.LBB2_4:
0x2f: {  	v6 =	vld [tilespmem:s10+$0xFFFFFFE0];
	_ =	sdelay $0x4  }
0x30: {  	v6 =	vtrunc.f32 v6  }
0x31: {  	v6 =	vcvt.f32.s32 v6;
	_ =	sdelay $0x1  }
0x32: {  	v6 =	vadd.s32 v0, v6;
	_ =	sdelay $0x4  }
0x33: {  	[tilespmem:v6+s7+$0x0] =	vst.idx.msk $0xffff, v2  }
0x34: {  	v6 =	vld [tilespmem:s10+$0xFFFFFFF0];
	_ =	sdelay $0x4  }
0x35: {  	v6 =	vtrunc.f32 v6  }
0x36: {  	v6 =	vcvt.f32.s32 v6;
	_ =	sdelay $0x1  }
0x37: {  	v6 =	vadd.s32 v3, v6;
	_ =	sdelay $0x4  }
0x38: {  	[tilespmem:v6+s7+$0x0] =	vst.idx.msk $0xffff, v2  }
0x39: {  	v6 =	vld [tilespmem:s10+$0x0];
	_ =	sdelay $0x4  }
0x3a: {  	v6 =	vtrunc.f32 v6  }
0x3b: {  	v6 =	vcvt.f32.s32 v6;
	_ =	sdelay $0x1  }
0x3c: {  	v6 =	vadd.s32 v4, v6;
	_ =	sdelay $0x4  }
0x3d: {  	[tilespmem:v6+s7+$0x0] =	vst.idx.msk $0xffff, v2  }
0x3e: {  	v6 =	vld [tilespmem:s10+$0x10];
	_ =	sdelay $0x4  }
0x3f: {  	v6 =	vtrunc.f32 v6  }
0x40: {  	v6 =	vcvt.f32.s32 v6;
	_ =	sdelay $0x1  }
0x41: {  	v6 =	vadd.s32 v5, v6;
	_ =	sdelay $0x4  }
0x42: {  	s12 =	sadd.s32 s11, s5;
	[tilespmem:v6+s7+$0x0] =	vst.idx.msk $0xffff, v2  }
0x43: {  	[hbm4b:s12+s2] =	stream.linear.scatter [tilespmem:s7], [sflag:$0x1], $0x8000, $0x38;
	[tilespmem:$0x8800] =	vst v63  }
0x44: {  	_ =	swait.ge [sflag:s8], $0x8000  }
0x45: {  	[sflag:s8] =	ssyncset.done $0x0  }
0x46: {  	[sflag:s8] =	ssyncadd.s32 $0xFFFF8000  }
0x47: {  	v6 =	vld [tilespmem:s10+$0xFFFFFFE0];
	_ =	sdelay $0x4  }
0x48: {  	v6 =	vtrunc.f32 v6  }
0x49: {  	v6 =	vcvt.f32.s32 v6;
	_ =	sdelay $0x1  }
0x4a: {  	v6 =	vadd.s32 v0, v6;
	_ =	sdelay $0x4  }
0x4b: {  	[tilespmem:v6+s7+$0x0] =	vst.idx.msk $0xffff, v1  }
0x4c: {  	v6 =	vld [tilespmem:s10+$0xFFFFFFF0];
	_ =	sdelay $0x4  }
0x4d: {  	v6 =	vtrunc.f32 v6  }
0x4e: {  	v6 =	vcvt.f32.s32 v6;
	_ =	sdelay $0x1  }
0x4f: {  	v6 =	vadd.s32 v3, v6;
	_ =	sdelay $0x4  }
0x50: {  	[tilespmem:v6+s7+$0x0] =	vst.idx.msk $0xffff, v1  }
0x51: {  	v6 =	vld [tilespmem:s10+$0x0];
	_ =	sdelay $0x4  }
0x52: {  	v6 =	vtrunc.f32 v6  }
0x53: {  	v6 =	vcvt.f32.s32 v6;
	_ =	sdelay $0x1  }
0x54: {  	v6 =	vadd.s32 v4, v6;
	_ =	sdelay $0x4  }
0x55: {  	[tilespmem:v6+s7+$0x0] =	vst.idx.msk $0xffff, v1  }
0x56: {  	v6 =	vld [tilespmem:s10+$0x10];
	_ =	sdelay $0x4  }
0x57: {  	v6 =	vtrunc.f32 v6  }
0x58: {  	v6 =	vcvt.f32.s32 v6;
	_ =	sdelay $0x1  }
0x59: {  	p0 =	sne.s32 s11, $0x1F000;
	v6 =	vadd.s32 v5, v6  }
.Ltmp1:
0x5a: {  	_ = 	snop;
	(pc) =	sbr.rel @p0 .LBB2_4-.Ltmp1, $2  }
0x5b: {  	_ =	sdelay $0x2  }
0x5c: {  	s11 =	sadd.s32 $0x1000, s11;
	s10 =	sadd.s32 $0x40, s10;
	[tilespmem:v6+s7+$0x0] =	vst.idx.msk $0xffff, v1  }
0x5d: {  	s9 =	sadd.s32 $0x1, s9  }
0x5e: {  	p0 =	sne.s32 s9, s4  }
.Ltmp2:
0x5f: {  	_ = 	snop;
	(pc) =	sbr.rel @p0 .LBB2_1-.Ltmp2, $1  }
0x60: {  	_ =	sdelay $0x3  }
0x61: {  	_ =	sfence.sel $0x180000  }
0x62: {  	[bflag:$0x0] =	sbarrier.arrive $0xFFFF  }
0x63: {  	p0 =	sne.s32 s1, $0x0;
	_ =	strace $0x90000047  }
0x64: {  	s0 =	sadd.s32 @!p0 $0x100000, s0;
	[bflag:$0x2] =	sbarrier.arrive $0xFFFF  }
0x65: {  	[sflag:s0] =	ssyncadd.tile.s32 @!p0 $0x1;
	_ =	shalt  }
.Lfunc_end2:
_tile_overlayer_lowered:
.L_overlay_start_2:
0x66: {  	(tag) =	ssettag $0x2  }
0x67: {  	s0 =	rddreg [dreg:$0x0];
	s2 =	stileid.u32  }
0x68: {  	s1 =	rddreg [dreg:$0x1];
	p0 =	sne.s32 s2, $0x0  }
0x69: {  	s3 =	rddreg [dreg:$0x2];
	[bflag:$0x3] =	sbarrier.arrive $0xFFFF;
	s2 =	simm.s32 @!p0 $0x1C02  }
0x6a: {  	[timem:s3], [sflag:s2] =	dma.local @!p0 [hbm:s0], s1  }
0x6b: {  	s0 =	simm.s32 @!p0 $0x2  }
0x6c: {  	_ =	swait.ge @!p0 [sflag:s0], s1  }
0x6d: {  	s1 =	ssub.s32 @!p0 $0x0, s1;
	[sflag:s0] =	ssyncset.done @!p0 $0x0  }
0x6e: {  	[sflag:s0] =	ssyncadd.s32 @!p0 s1  }
0x6f: {  	[bflag:$0x3] =	sbarrier.arrive $0xFFFF  }
0x70: {  	_ =	shalt  }

</sc_bundles>
